<compile_context>
chip_gen: v7x
topology: tpu7x:2x2x1
jax: 0.10.2.dev20260603
libtpu: 0.0.44.dev20260713+nightly
codegen_flags: <defaults>
</compile_context>

<pallas_src>
import jax
import jax.numpy as jnp
from jax import lax
from jax.experimental import pallas as pl
from jax.experimental.pallas import tpu as pltpu

B, S, N, D_K, D_A, K_MAX = 128, 4, 100000, 32, 128, 64
T = 0.1
M_CAND = 96
NB = 2048
GRID = (N + NB - 1) // NB


def _sim_kernel(q_ref, pk_ref, w_ref, lam_ref, tau_ref,
                s_ref, simbf_ref, rs_ref):
    j = pl.program_id(0)

    @pl.when(j == 0)
    def _():
        rs_ref[...] = jnp.zeros_like(rs_ref)

    kb = pk_ref[...]
    nrm = jnp.sqrt(jnp.sum(kb * kb, axis=2, keepdims=True))
    kn = (kb / (nrm + 1e-8)).astype(jnp.bfloat16)
    sim = lax.dot_general(q_ref[...], kn, (((2,), (2,)), ((0,), (0,))),
                          preferred_element_type=jnp.float32)
    simbf = sim.astype(jnp.bfloat16)
    simbf_ref[...] = simbf
    simq = simbf.astype(jnp.float32)
    t0 = w_ref[0, 0] * simq[0]
    t1 = w_ref[0, 1] * simq[1]
    t2 = w_ref[0, 2] * simq[2]
    t3 = w_ref[0, 3] * simq[3]
    s = (t0 + t1) + (t2 + t3)
    s_ref[...] = s

    cols = j * NB + lax.broadcasted_iota(jnp.int32, (1, NB), 1)
    mask = cols < N
    lam = lam_ref[0, 0]
    tau = tau_ref[0, 0]
    g = jax.nn.sigmoid(lam * (s - tau))
    raw = g * jnp.exp(s * (1.0 / T))
    raw = jnp.where(mask, raw, 0.0)
    rs_ref[...] += jnp.sum(raw, axis=1, keepdims=True)


@jax.jit
def kernel(z, pool_keys, W_Q, aspect_weights, tau, lambda_val, is_warmup):
    queries = jnp.einsum('ska,ba->bsk', W_Q, z)
    qn = queries / (jnp.linalg.norm(queries, axis=-1, keepdims=True) + 1e-08)
    w = jax.nn.softmax(aspect_weights, axis=0)

    qbf = jnp.transpose(qn, (1, 0, 2)).astype(jnp.bfloat16)
    wrow = w.astype(jnp.bfloat16).astype(jnp.float32).reshape(1, S)
    lam = jnp.asarray(lambda_val, jnp.float32).reshape(1, 1)
    tau2 = jnp.asarray(tau, jnp.float32).reshape(1, 1)

    s_tilde, sims_bf, rawsum = pl.pallas_call(
        _sim_kernel,
        grid=(GRID,),
        in_specs=[
            pl.BlockSpec((S, B, D_K), lambda j: (0, 0, 0)),
            pl.BlockSpec((S, NB, D_K), lambda j: (0, j, 0)),
            pl.BlockSpec(memory_space=pltpu.SMEM),
            pl.BlockSpec(memory_space=pltpu.SMEM),
            pl.BlockSpec(memory_space=pltpu.SMEM),
        ],
        out_specs=[
            pl.BlockSpec((B, NB), lambda j: (0, j)),
            pl.BlockSpec((S, B, NB), lambda j: (0, 0, j)),
            pl.BlockSpec((B, 1), lambda j: (0, 0)),
        ],
        out_shape=[
            jax.ShapeDtypeStruct((B, N), jnp.float32),
            jax.ShapeDtypeStruct((S, B, N), jnp.bfloat16),
            jax.ShapeDtypeStruct((B, 1), jnp.float32),
        ],
    )(qbf, pool_keys, wrow, lam, tau2)

    GQ1, GQ2 = 16, 10
    G1 = N // GQ1
    G2 = G1 // GQ2
    gmax1 = jnp.max(s_tilde.reshape(B, G1, GQ1), axis=2)
    gmax2 = jnp.max(gmax1.reshape(B, G2, GQ2), axis=2)
    _, sg = lax.top_k(gmax2, M_CAND)
    g1idx = (sg[:, :, None] * GQ2 +
             jnp.arange(GQ2, dtype=jnp.int32)[None, None, :]).reshape(B, M_CAND * GQ2)
    g1v = jnp.take_along_axis(gmax1, g1idx, axis=1)
    _, p1 = lax.top_k(g1v, M_CAND)
    g1sel = jnp.take_along_axis(g1idx, p1, axis=1)
    idx_elems = (g1sel[:, :, None] * GQ1 +
                 jnp.arange(GQ1, dtype=jnp.int32)[None, None, :]).reshape(B, M_CAND * GQ1)
    s_elems = jnp.take_along_axis(s_tilde, idx_elems, axis=1)
    _, epos = lax.top_k(s_elems, M_CAND)
    idx_cand = jnp.take_along_axis(idx_elems, epos, axis=1)
    idx_cand = jnp.sort(idx_cand, axis=1)
    sim_c = jnp.take_along_axis(sims_bf, idx_cand[None, :, :], axis=2)
    sim_c = jnp.transpose(sim_c, (1, 0, 2))
    s_c = jnp.einsum('s,bsm->bm', w.astype(jnp.bfloat16), sim_c,
                     preferred_element_type=jnp.float32,
                     precision=lax.Precision.HIGHEST)

    top_s, pos = lax.top_k(s_c, K_MAX)
    idx = jnp.take_along_axis(idx_cand, pos, axis=1)

    lamf = jnp.asarray(lambda_val, jnp.float32)
    tauf = jnp.asarray(tau, jnp.float32)

    def warmup_alpha(_):
        return jax.nn.softmax(top_s / T, axis=-1)

    def gate_alpha(_):
        g = jax.nn.sigmoid(lamf * (top_s - tauf))
        raw = g * jnp.exp(top_s / T)
        rn = raw / (rawsum + 1e-8)
        return rn / (jnp.sum(rn, axis=-1, keepdims=True) + 1e-8)

    alphas = lax.cond(jnp.asarray(is_warmup), warmup_alpha, gate_alpha, None)
    return (alphas, idx)

# --- scband reference (transcript-rebuilt; emitter-appended) ---
"""Pipeline reference for scband-multi-aspect-retrieval-2190433321314 (READ-ONLY COPY).

The authoritative reference and input builder live on the scoring server;
editing this copy changes nothing except your own understanding.
"""

import jax, jax.numpy as jnp
import numpy as np

B, S, N, D_K, D_A, K_MAX = 128, 4, 100000, 32, 128, 64
T = 0.1

def setup_inputs(seed: int = 0) -> dict:
    key = jax.random.key(seed)
    k0, k1, k2 = jax.random.split(key, 3)
    z = jax.random.normal(k0, (B, D_A), dtype=jnp.float32)
    pool_keys = jax.random.normal(k1, (S, N, D_K), dtype=jnp.float32)
    W_Q = jax.random.normal(k2, (S, D_K, D_A), dtype=jnp.float32) * (D_A ** -0.5)
    aspect_weights = jnp.zeros((S,), dtype=jnp.float32)
    tau = jnp.array(0.0, dtype=jnp.float32)
    return {
        'z': z,
        'pool_keys': pool_keys,
        'W_Q': W_Q,
        'aspect_weights': aspect_weights,
        'tau': tau,
        'lambda_val': 10.0,
        'is_warmup': False,
    }

def reference(z, pool_keys, W_Q, aspect_weights, tau, lambda_val, is_warmup):
    queries = jnp.einsum('ska,ba->bsk', W_Q, z)
    qn = queries / (jnp.linalg.norm(queries, axis=-1, keepdims=True) + 1e-08)
    kn = pool_keys / (jnp.linalg.norm(pool_keys, axis=-1, keepdims=True) + 1e-08)
    sim = jnp.einsum('bsk,snk->bsn', qn, kn)
    w = jax.nn.softmax(aspect_weights, axis=0)
    s_i = jnp.einsum('s,bsn->bn', w, sim)

    def warmup_select(_):
        scores, idx = jax.lax.top_k(s_i, K_MAX)
        alpha = jax.nn.softmax(scores / T, axis=-1)
        return (alpha, idx)

    def gate_select(_):
        g = jax.nn.sigmoid(lambda_val * (s_i - tau))
        raw = g * jnp.exp(s_i / T)
        raw = raw / (raw.sum(axis=-1, keepdims=True) + 1e-08)
        top_raw, idx = jax.lax.top_k(raw, K_MAX)
        alpha = top_raw / (top_raw.sum(axis=-1, keepdims=True) + 1e-08)
        return (alpha, idx)

    alphas, indices = jax.lax.cond(jnp.asarray(is_warmup), warmup_select, gate_select, None)
    return (alphas, indices)

if __name__ == "__main__":
    import jax
    _d = setup_inputs()
    print(jax.jit(kernel)(*tuple(_d.values())))

</pallas_src>

<mosaic_0001>
module attributes {stable_mosaic.version = 14 : i64} {
  func.func @_sim_kernel(%arg0: i32, %arg1: memref<4x128x32xbf16, #tpu.memory_space<vmem>>, %arg2: memref<4x2048x32xf32, #tpu.memory_space<vmem>>, %arg3: memref<1x4xf32, #tpu.memory_space<smem>>, %arg4: memref<1x1xf32, #tpu.memory_space<smem>>, %arg5: memref<1x1xf32, #tpu.memory_space<smem>>, %arg6: memref<128x2048xf32, #tpu.memory_space<vmem>>, %arg7: memref<4x128x2048xbf16, #tpu.memory_space<vmem>>, %arg8: memref<128x1xf32, #tpu.memory_space<vmem>>) attributes {dimension_semantics = [#tpu.dimension_semantics<arbitrary>], iteration_bounds = array<i64: 49>, scalar_prefetch = 0 : i64, scratch_operands = 0 : i64, tpu.core_type = #tpu.core_type<tc>, window_params = [{pipeline_mode = #tpu.pipeline_mode<synchronous>, transform_indices = @transform_0, window_bounds = array<i64: 4, 128, 32>}, {transform_indices = @transform_1, window_bounds = array<i64: 4, 2048, 32>}, {transform_indices = @transform_2, window_bounds = array<i64: 1, 4>}, {transform_indices = @transform_3, window_bounds = array<i64: 1, 1>}, {transform_indices = @transform_4, window_bounds = array<i64: 1, 1>}, {transform_indices = @transform_5, window_bounds = array<i64: 128, 2048>}, {transform_indices = @transform_6, window_bounds = array<i64: 4, 128, 2048>}, {pipeline_mode = #tpu.pipeline_mode<synchronous>, transform_indices = @transform_7, window_bounds = array<i64: 128, 1>}]} {
    %eq3A = arith.constant 0 : i32
    %eq3A_0 = arith.cmpi eq, %arg0, %eq3A : i32
    %convert_element_type3A = arith.extui %eq3A_0 : i1 to i32
    %cond3A = arith.constant 0 : i32
    %cond3A_1 = arith.cmpi ne, %convert_element_type3A, %cond3A : i32
    scf.if %cond3A_1 {
      %broadcast_in_dim3A_89 = arith.constant 0.000000e+00 : f32
      %broadcast_in_dim3A_90 = vector.broadcast %broadcast_in_dim3A_89 : f32 to vector<128x1xf32>
      %swap3A_91 = arith.constant 0 : index
      %swap3A_92 = arith.constant 0 : index
      %swap3A_93 = vector.load %arg8[%swap3A_91, %swap3A_92] : memref<128x1xf32, #tpu.memory_space<vmem>>, vector<128x1xf32>
      tpu.vector_store %arg8[%swap3A_91, %swap3A_92], %broadcast_in_dim3A_90 {strides = array<i32>} : memref<128x1xf32, #tpu.memory_space<vmem>>, vector<128x1xf32>,
    } else {
    }
    %get3A = arith.constant 0 : index
    %get3A_2 = arith.constant 0 : index
    %get3A_3 = arith.constant 0 : index
    %get3A_4 = vector.load %arg2[%get3A, %get3A_2, %get3A_3] : memref<4x2048x32xf32, #tpu.memory_space<vmem>>, vector<4x2048x32xf32>
    %mul3A = arith.mulf %get3A_4, %get3A_4 : vector<4x2048x32xf32>
    %reduce_sum3A = arith.constant dense<0.000000e+00> : vector<4x2048xf32>
    %reduce_sum3A_5 = vector.multi_reduction <add>, %mul3A, %reduce_sum3A [2] : vector<4x2048x32xf32> to vector<4x2048xf32>
    %broadcast_in_dim3A = vector.shape_cast %reduce_sum3A_5 : vector<4x2048xf32> to vector<4x2048x1xf32>
    %sqrt3A = math.sqrt %broadcast_in_dim3A : vector<4x2048x1xf32>
    %add3A = arith.constant 9.99999993E-9 : f32
    %add3A_6 = vector.broadcast %add3A : f32 to vector<4x2048x1xf32>
    %add3A_7 = arith.addf %sqrt3A, %add3A_6 : vector<4x2048x1xf32>
    %div3A = vector.broadcast %add3A_7 : vector<4x2048x1xf32> to vector<4x2048x32xf32>
    %div3A_8 = arith.divf %get3A_4, %div3A : vector<4x2048x32xf32>
    %convert_element_type3A_9 = arith.truncf %div3A_8 : vector<4x2048x32xf32> to vector<4x2048x32xbf16>
    %get3A_10 = arith.constant 0 : index
    %get3A_11 = arith.constant 0 : index
    %get3A_12 = arith.constant 0 : index
    %get3A_13 = vector.load %arg1[%get3A_10, %get3A_11, %get3A_12] : memref<4x128x32xbf16, #tpu.memory_space<vmem>>, vector<4x128x32xbf16>
    %dot_general3A = arith.constant dense<0.000000e+00> : vector<4x128x2048xf32>
    %dot_general3A_14 = tpu.matmul %get3A_13, %convert_element_type3A_9, %dot_general3A {dimension_numbers = #tpu.dot_dimension_numbers<[2], [2], [1], [1], [0, 0, 0, 1, 1, 1], [0], [0]>, transpose_lhs_hint = false} : vector<4x128x32xbf16>, vector<4x2048x32xbf16>, vector<4x128x2048xf32> -> vector<4x128x2048xf32>
    %convert_element_type3A_15 = arith.truncf %dot_general3A_14 : vector<4x128x2048xf32> to vector<4x128x2048xbf16>
    %swap3A = arith.constant 0 : index
    %swap3A_16 = arith.constant 0 : index
    %swap3A_17 = arith.constant 0 : index
    %swap3A_18 = vector.load %arg7[%swap3A, %swap3A_16, %swap3A_17] : memref<4x128x2048xbf16, #tpu.memory_space<vmem>>, vector<4x128x2048xbf16>
    tpu.vector_store %arg7[%swap3A, %swap3A_16, %swap3A_17], %convert_element_type3A_15 {strides = array<i32>} : memref<4x128x2048xbf16, #tpu.memory_space<vmem>>, vector<4x128x2048xbf16>,
    %convert_element_type3A_19 = arith.extf %convert_element_type3A_15 : vector<4x128x2048xbf16> to vector<4x128x2048xf32>
    %get3A_20 = arith.constant 0 : index
    %get3A_21 = arith.constant 0 : index
    %get3A_22 = memref.load %arg3[%get3A_20, %get3A_21] : memref<1x4xf32, #tpu.memory_space<smem>>
    %slice3A = vector.extract_strided_slice %convert_element_type3A_19 {offsets = [0, 0, 0], sizes = [1, 128, 2048], strides = [1, 1, 1]} : vector<4x128x2048xf32> to vector<1x128x2048xf32>
    %squeeze3A = vector.shape_cast %slice3A : vector<1x128x2048xf32> to vector<128x2048xf32>
    %mul3A_23 = vector.broadcast %get3A_22 : f32 to vector<128x2048xf32>
    %mul3A_24 = arith.mulf %mul3A_23, %squeeze3A : vector<128x2048xf32>
    %get3A_25 = arith.constant 0 : index
    %get3A_26 = arith.constant 1 : index
    %get3A_27 = memref.load %arg3[%get3A_25, %get3A_26] : memref<1x4xf32, #tpu.memory_space<smem>>
    %slice3A_28 = vector.extract_strided_slice %convert_element_type3A_19 {offsets = [1, 0, 0], sizes = [1, 128, 2048], strides = [1, 1, 1]} : vector<4x128x2048xf32> to vector<1x128x2048xf32>
    %squeeze3A_29 = vector.shape_cast %slice3A_28 : vector<1x128x2048xf32> to vector<128x2048xf32>
    %mul3A_30 = vector.broadcast %get3A_27 : f32 to vector<128x2048xf32>
    %mul3A_31 = arith.mulf %mul3A_30, %squeeze3A_29 : vector<128x2048xf32>
    %get3A_32 = arith.constant 0 : index
    %get3A_33 = arith.constant 2 : index
    %get3A_34 = memref.load %arg3[%get3A_32, %get3A_33] : memref<1x4xf32, #tpu.memory_space<smem>>
    %slice3A_35 = vector.extract_strided_slice %convert_element_type3A_19 {offsets = [2, 0, 0], sizes = [1, 128, 2048], strides = [1, 1, 1]} : vector<4x128x2048xf32> to vector<1x128x2048xf32>
    %squeeze3A_36 = vector.shape_cast %slice3A_35 : vector<1x128x2048xf32> to vector<128x2048xf32>
    %mul3A_37 = vector.broadcast %get3A_34 : f32 to vector<128x2048xf32>
    %mul3A_38 = arith.mulf %mul3A_37, %squeeze3A_36 : vector<128x2048xf32>
    %get3A_39 = arith.constant 0 : index
    %get3A_40 = arith.constant 3 : index
    %get3A_41 = memref.load %arg3[%get3A_39, %get3A_40] : memref<1x4xf32, #tpu.memory_space<smem>>
    %slice3A_42 = vector.extract_strided_slice %convert_element_type3A_19 {offsets = [3, 0, 0], sizes = [1, 128, 2048], strides = [1, 1, 1]} : vector<4x128x2048xf32> to vector<1x128x2048xf32>
    %squeeze3A_43 = vector.shape_cast %slice3A_42 : vector<1x128x2048xf32> to vector<128x2048xf32>
    %mul3A_44 = vector.broadcast %get3A_41 : f32 to vector<128x2048xf32>
    %mul3A_45 = arith.mulf %mul3A_44, %squeeze3A_43 : vector<128x2048xf32>
    %add3A_46 = arith.addf %mul3A_24, %mul3A_31 : vector<128x2048xf32>
    %add3A_47 = arith.addf %mul3A_38, %mul3A_45 : vector<128x2048xf32>
    %add3A_48 = arith.addf %add3A_46, %add3A_47 : vector<128x2048xf32>
    %swap3A_49 = arith.constant 0 : index
    %swap3A_50 = arith.constant 0 : index
    %swap3A_51 = vector.load %arg6[%swap3A_49, %swap3A_50] : memref<128x2048xf32, #tpu.memory_space<vmem>>, vector<128x2048xf32>
    tpu.vector_store %arg6[%swap3A_49, %swap3A_50], %add3A_48 {strides = array<i32>} : memref<128x2048xf32, #tpu.memory_space<vmem>>, vector<128x2048xf32>,
    %mul3A_52 = arith.constant 2048 : i32
    %mul3A_53 = arith.muli %arg0, %mul3A_52 : i32
    %iota3A = tpu.iota {dimensions = array<i32: 1>} : vector<1x2048xi32>
    %add3A_54 = vector.broadcast %mul3A_53 : i32 to vector<1x2048xi32>
    %add3A_55 = arith.addi %add3A_54, %iota3A : vector<1x2048xi32>
    %lt3A = arith.constant 100000 : i32
    %lt3A_56 = vector.broadcast %lt3A : i32 to vector<1x2048xi32>
    %lt3A_57 = arith.cmpi slt, %add3A_55, %lt3A_56 : vector<1x2048xi32>
    %get3A_58 = arith.constant 0 : index
    %get3A_59 = arith.constant 0 : index
    %get3A_60 = memref.load %arg4[%get3A_58, %get3A_59] : memref<1x1xf32, #tpu.memory_space<smem>>
    %get3A_61 = arith.constant 0 : index
    %get3A_62 = arith.constant 0 : index
    %get3A_63 = memref.load %arg5[%get3A_61, %get3A_62] : memref<1x1xf32, #tpu.memory_space<smem>>
    %sub3A = vector.broadcast %get3A_63 : f32 to vector<128x2048xf32>
    %sub3A_64 = arith.subf %add3A_48, %sub3A : vector<128x2048xf32>
    %mul3A_65 = vector.broadcast %get3A_60 : f32 to vector<128x2048xf32>
    %mul3A_66 = arith.mulf %mul3A_65, %sub3A_64 : vector<128x2048xf32>
    %logistic3A = arith.negf %mul3A_66 : vector<128x2048xf32>
    %logistic3A_67 = math.exp %logistic3A : vector<128x2048xf32>
    %logistic3A_68 = arith.constant 1.000000e+00 : f32
    %logistic3A_69 = vector.broadcast %logistic3A_68 : f32 to vector<128x2048xf32>
    %logistic3A_70 = arith.addf %logistic3A_69, %logistic3A_67 : vector<128x2048xf32>
    %logistic3A_71 = arith.divf %logistic3A_69, %logistic3A_70 : vector<128x2048xf32>
    %mul3A_72 = arith.constant 1.000000e+01 : f32
    %mul3A_73 = vector.broadcast %mul3A_72 : f32 to vector<128x2048xf32>
    %mul3A_74 = arith.mulf %add3A_48, %mul3A_73 : vector<128x2048xf32>
    %exp3A = math.exp %mul3A_74 : vector<128x2048xf32>
    %mul3A_75 = arith.mulf %logistic3A_71, %exp3A : vector<128x2048xf32>
    %jit3A = arith.constant 0.000000e+00 : f32
    %broadcast_in_dim3A_76 = vector.shape_cast %lt3A_57 : vector<1x2048xi1> to vector<1x2048xi1>
    %broadcast_in_dim3A_77 = vector.broadcast %broadcast_in_dim3A_76 : vector<1x2048xi1> to vector<128x2048xi1>
    %broadcast_in_dim3A_78 = vector.broadcast %jit3A : f32 to vector<128x2048xf32>
    %select_n3A = arith.select %broadcast_in_dim3A_77, %mul3A_75, %broadcast_in_dim3A_78 : vector<128x2048xi1>, vector<128x2048xf32>
    %get3A_79 = arith.constant 0 : index
    %get3A_80 = arith.constant 0 : index
    %get3A_81 = vector.load %arg8[%get3A_79, %get3A_80] : memref<128x1xf32, #tpu.memory_space<vmem>>, vector<128x1xf32>
    %reduce_sum3A_82 = arith.constant dense<0.000000e+00> : vector<128xf32>
    %reduce_sum3A_83 = vector.multi_reduction <add>, %select_n3A, %reduce_sum3A_82 [1] : vector<128x2048xf32> to vector<128xf32>
    %broadcast_in_dim3A_84 = vector.shape_cast %reduce_sum3A_83 : vector<128xf32> to vector<128x1xf32>
    %add3A_85 = arith.addf %get3A_81, %broadcast_in_dim3A_84 : vector<128x1xf32>
    %swap3A_86 = arith.constant 0 : index
    %swap3A_87 = arith.constant 0 : index
    %swap3A_88 = vector.load %arg8[%swap3A_86, %swap3A_87] : memref<128x1xf32, #tpu.memory_space<vmem>>, vector<128x1xf32>
    tpu.vector_store %arg8[%swap3A_86, %swap3A_87], %add3A_85 {strides = array<i32>} : memref<128x1xf32, #tpu.memory_space<vmem>>, vector<128x1xf32>,
    return
  }
  func.func @transform_0(%arg0: i32) -> (i32, i32, i32) {
    %c0_i32 = arith.constant 0 : i32
    %c0_i32_0 = arith.constant 0 : i32
    %c0_i32_1 = arith.constant 0 : i32
    %c0_i32_2 = arith.constant 0 : i32
    return %c0_i32, %c0_i32_0, %c0_i32_1 : i32, i32, i32
  }
  func.func @transform_1(%arg0: i32) -> (i32, i32, i32) {
    %c0_i32 = arith.constant 0 : i32
    %c0_i32_0 = arith.constant 0 : i32
    %c0_i32_1 = arith.constant 0 : i32
    return %c0_i32, %arg0, %c0_i32_0 : i32, i32, i32
  }
  func.func @transform_2(%arg0: i32) -> (i32, i32) {
    %c0_i32 = arith.constant 0 : i32
    %c0_i32_0 = arith.constant 0 : i32
    %c0_i32_1 = arith.constant 0 : i32
    return %c0_i32, %c0_i32_0 : i32, i32
  }
  func.func @transform_3(%arg0: i32) -> (i32, i32) {
    %c0_i32 = arith.constant 0 : i32
    %c0_i32_0 = arith.constant 0 : i32
    %c0_i32_1 = arith.constant 0 : i32
    return %c0_i32, %c0_i32_0 : i32, i32
  }
  func.func @transform_4(%arg0: i32) -> (i32, i32) {
    %c0_i32 = arith.constant 0 : i32
    %c0_i32_0 = arith.constant 0 : i32
    %c0_i32_1 = arith.constant 0 : i32
    return %c0_i32, %c0_i32_0 : i32, i32
  }
  func.func @transform_5(%arg0: i32) -> (i32, i32) {
    %c0_i32 = arith.constant 0 : i32
    %c0_i32_0 = arith.constant 0 : i32
    return %c0_i32, %arg0 : i32, i32
  }
  func.func @transform_6(%arg0: i32) -> (i32, i32, i32) {
    %c0_i32 = arith.constant 0 : i32
    %c0_i32_0 = arith.constant 0 : i32
    %c0_i32_1 = arith.constant 0 : i32
    return %c0_i32, %c0_i32_0, %arg0 : i32, i32, i32
  }
  func.func @transform_7(%arg0: i32) -> (i32, i32) {
    %c0_i32 = arith.constant 0 : i32
    %c0_i32_0 = arith.constant 0 : i32
    %c0_i32_1 = arith.constant 0 : i32
    return %c0_i32, %c0_i32_0 : i32, i32
  }
}

</mosaic_0001>

<sc_bundles>
// kernel: gather_offload_async_start.1
scs
__scs_entry_jumppad:
0x0: {  	(pc) =	sbr.rel $0x88, $3  }
0x1: {  	(tag) =	ssettag $0x0;
	lr =	simm.s32 $0x1  }
0x2: {  	[smem:$0x3F9A] =	sst lr;
	_ =	strace $0xD0000000  }
0x3: {  	_ = 	snop  }
0x4: {  	_ = 	snop  }
0x5: {  	_ = 	snop  }
0x6: {  	_ = 	snop  }
0x7: {  	_ = 	snop  }
__scs_overlays_trampoline_lowered:
0x8: {  	[smem:$0x3FA9] =	sst s0  }
0x9: {  	[smem:$0x3FAA] =	sst s1  }
0xa: {  	[smem:$0x3FAB] =	sst s2  }
0xb: {  	[smem:$0x3FAC] =	sst s3  }
0xc: {  	[smem:$0x3FAD] =	sst s4  }
0xd: {  	[smem:$0x3FAE] =	sst s5  }
0xe: {  	[smem:$0x3FAF] =	sst s6  }
0xf: {  	[smem:$0x3FB0] =	sst s7  }
0x10: {  	[smem:$0x3FB1] =	sst s8  }
0x11: {  	[smem:$0x3FB2] =	sst s9;
	s0 =	simm.s32 @!p0 $0x0  }
0x12: {  	s1 =	sld [smem:$0x3F98];
	s0 =	simm.s32 @p0 $0x1  }
0x13: {  	[smem:$0x3FB3] =	sst s0;
	s0 =	simm.s32 @!p1 $0x0  }
0x14: {  	s2 =	sld [smem:$0x3F97];
	s0 =	simm.s32 @p1 $0x1  }
0x15: {  	[smem:$0x3FB4] =	sst s0;
	s0 =	simm.s32 @!p2 $0x0  }
0x16: {  	s3 =	sld [smem:$0x3FDB];
	s0 =	simm.s32 @p2 $0x1  }
0x17: {  	s4 =	simm.s32 $0x1BF5;
	[smem:$0x3FB6] =	sst s0  }
0x18: {  	s0 =	sld [smem:$0x3F99];
	_ =	swait.ge [sflag:s4], $0x0  }
0x19: {  	s7 =	sld [smem:$0x3F9A]  }
0x1a: {  	s8 =	sadd.s32 $0xFFFFE003, lr  }
0x1b: {  	s9 =	sadd.s32 $0xFFFFFEF7, lr;
	s5 =	simm.s32 $0xFFFFFFFF;
	p2 =	slt.u32 s8, $0xFFFFF086  }
0x1c: {  	p1 =	slt.u32 s9, $0xF7A;
	s5 =	simm.s32 @!p2 $0x0  }
0x1d: {  	s5 =	simm.s32 @p1 $0x1;
	p0 =	seq.s32 s7, s2  }
0x1e: {  	s7 =	smul.u32 @!p0 $0xF7A, s2;
	p2 =	seq.s32 @!p0 s5, $0x0  }
0x1f: {  	s9 =	smul.u32 $0xF7A, s1;
	s8 =	simm.s32 @!p0 $0x1BF5;
	p2 =	por !p2, p0  }
0x20: {  	[sflag:s8] =	ssyncset.s32 @!p0 $0xFFFFF086;
	s6 =	sadd.s32 @!p0 s3, s7;
	s7 =	simm.s32 @!p0 $0x108  }
0x21: {  	s3 =	sadd.s32 s3, s9;
	s6 =	sadd.s32 @!p0 $0x88, s6;
	s7 =	simm.s32 @p2 $0x1082  }
0x22: {  	[simem:s7], [sflag:s8] =	dma.local @!p0 [hbm:s6], $0xF7A  }
0x23: {  	s9 =	sor.u32 $0xD0000000, s2;
	s6 =	simm.s32 $0x108;
	_ =	swait.ge @!p0 [sflag:s8], $0x0  }
0x24: {  	s3 =	sadd.s32 $0x88, s3;
	s6 =	simm.s32 @!p1 $0x1082;
	[sflag:s4] =	ssyncset.s32 $0xFFFFF086  }
0x25: {  	[simem:s6], [sflag:s4] =	dma.local [hbm:s3], $0xF7A  }
0x26: {  	[smem:$0x3F9A] =	sst s1;
	(tag) =	ssettag s2;
	_ =	strace s9  }
0x27: {  	s1 =	sld [smem:$0x3FAA]  }
0x28: {  	s2 =	sld [smem:$0x3FAB]  }
0x29: {  	s4 =	sld [smem:$0x3FAD]  }
0x2a: {  	p0 =	seq.s32 s5, $0x0;
	s5 =	sld [smem:$0x3FAE]  }
0x2b: {  	s6 =	sld [smem:$0x3FAF]  }
0x2c: {  	s7 =	sld [smem:$0x3FB0]  }
0x2d: {  	s3 =	simm.s32 $0x108;
	s8 =	sld [smem:$0x3FB1]  }
0x2e: {  	s3 =	simm.s32 @!p0 $0x1082;
	s9 =	sld [smem:$0x3FB2]  }
0x2f: {  	lr =	sadd.s32 s0, s3;
	s0 =	sld [smem:$0x3FA9]  }
0x30: {  	s3 =	sld [smem:$0x3FAC]  }
0x31: {  	[smem:$0x3FB5] =	sst s10  }
0x32: {  	s10 =	sld [smem:$0x3FB3];
	_ =	sdelay $0x3  }
0x33: {  	p0 =	seq.s32 s10, $0x1;
	s10 =	sld [smem:$0x3FB5];
	_ =	sdelay $0x3  }
0x34: {  	[smem:$0x3FB5] =	sst s10  }
0x35: {  	s10 =	sld [smem:$0x3FB4];
	_ =	sdelay $0x3  }
0x36: {  	p1 =	seq.s32 s10, $0x1;
	s10 =	sld [smem:$0x3FB5];
	_ =	sdelay $0x3  }
0x37: {  	[smem:$0x3FB5] =	sst s10  }
0x38: {  	s10 =	sld [smem:$0x3FB6]  }
0x39: {  	_ = 	snop;
	(pc) =	sbr.ind lr, $3  }
0x3a: {  	_ = 	snop  }
0x3b: {  	_ = 	snop  }
0x3c: {  	p2 =	seq.s32 s10, $0x1;
	s10 =	sld [smem:$0x3FB5]  }
0x3d: {  	_ =	shalt  }
0x3e: {  	_ =	shalt  }
0x3f: {  	_ =	shalt  }
0x40: {  	_ =	shalt  }
0x41: {  	_ =	shalt  }
0x42: {  	_ =	shalt  }
0x43: {  	_ =	shalt  }
0x44: {  	_ =	shalt  }
0x45: {  	_ =	shalt  }
0x46: {  	_ =	shalt  }
0x47: {  	_ =	shalt  }
0x48: {  	_ =	shalt  }
0x49: {  	_ =	shalt  }
0x4a: {  	_ =	shalt  }
0x4b: {  	_ =	shalt  }
0x4c: {  	_ =	shalt  }
0x4d: {  	_ =	shalt  }
0x4e: {  	_ =	shalt  }
0x4f: {  	_ =	shalt  }
0x50: {  	_ =	shalt  }
0x51: {  	_ =	shalt  }
0x52: {  	_ =	shalt  }
0x53: {  	_ =	shalt  }
0x54: {  	_ =	shalt  }
0x55: {  	_ =	shalt  }
0x56: {  	_ =	shalt  }
0x57: {  	_ =	shalt  }
0x58: {  	_ =	shalt  }
0x59: {  	_ =	shalt  }
0x5a: {  	_ =	shalt  }
0x5b: {  	_ =	shalt  }
0x5c: {  	_ =	shalt  }
0x5d: {  	_ =	shalt  }
0x5e: {  	_ =	shalt  }
0x5f: {  	_ =	shalt  }
0x60: {  	_ =	shalt  }
0x61: {  	_ =	shalt  }
0x62: {  	_ =	shalt  }
0x63: {  	_ =	shalt  }
0x64: {  	_ =	shalt  }
0x65: {  	_ =	shalt  }
0x66: {  	_ =	shalt  }
0x67: {  	_ =	shalt  }
0x68: {  	_ =	shalt  }
0x69: {  	_ =	shalt  }
0x6a: {  	_ =	shalt  }
0x6b: {  	_ =	shalt  }
0x6c: {  	_ =	shalt  }
0x6d: {  	_ =	shalt  }
0x6e: {  	_ =	shalt  }
0x6f: {  	_ =	shalt  }
0x70: {  	_ =	shalt  }
0x71: {  	_ =	shalt  }
0x72: {  	_ =	shalt  }
0x73: {  	_ =	shalt  }
0x74: {  	_ =	shalt  }
0x75: {  	_ =	shalt  }
0x76: {  	_ =	shalt  }
0x77: {  	_ =	shalt  }
0x78: {  	_ =	shalt  }
0x79: {  	_ =	shalt  }
0x7a: {  	_ =	shalt  }
0x7b: {  	_ =	shalt  }
0x7c: {  	_ =	shalt  }
0x7d: {  	_ =	shalt  }
0x7e: {  	_ =	shalt  }
0x7f: {  	_ =	shalt  }
0x80: {  	_ =	shalt  }
0x81: {  	_ =	shalt  }
0x82: {  	_ =	shalt  }
0x83: {  	_ =	shalt  }
0x84: {  	_ =	shalt  }
0x85: {  	_ =	shalt  }
0x86: {  	_ =	shalt  }
0x87: {  	_ =	shalt  }
.Lfunc_end0:
.L_simem_size_0:
called_computation.1_lowered:
.L_overlay_start_0:
0x88: {  	s2 =	sld [smem:$0x3FD9]  }
0x89: {  	s3 =	sld [smem:$0x3FFE];
	_ =	sdelay $0x1  }
0x8a: {  	s1 =	srdreg.scid  }
0x8b: {  	s0 =	sand.u32 $0x1, s1  }
0x8c: {  	s16 =	sshll.u32 s0, $0xA;
	s2 =	sadd.s32 s3, s2  }
0x8d: {  	s2 =	sadd.s32 s2, s16  }
0x8e: {  	[smem:$0x3FC1] =	sst s2  }
0x8f: {  	_ = 	snop  }
0x90: {  	(tm) =	ssettm $0x1  }
0x91: {  	s17 =	sld [smem:$0x3FFB];
	_ =	sdelay $0x3  }
0x92: {  	_ =	strace s17  }
0x93: {  	s2 =	sld [smem:$0x3FFC];
	_ =	sdelay $0x3  }
0x94: {  	_ =	strace s2  }
0x95: {  	s2 =	sld [smem:$0x3FFD];
	_ =	sdelay $0x3  }
0x96: {  	_ =	strace s2  }
0x97: {  	_ =	strace $0x8FFFFFFF  }
0x98: {  	s18 =	sld [smem:$0x3FDB];
	_ =	sdelay $0x1  }
0x99: {  	s19 =	simm.s32 $_scs_section_size  }
0x9a: {  	s4 =	simm.s32 $_size__tile_overlayer_lowered;
	s5 =	simm.s32 $_tile_overlayer_lowered  }
0x9b: {  	s22 =	simm.s32 $0x1BFF;
	s21 =	sshll.u32 s5, $0x1;
	s2 =	sadd.s32 s19, s18  }
0x9c: {  	s6 =	simm.s32 $0x0;
	s20 =	sshll.u32 s4, $0x1;
	s4 =	sadd.s32 s21, s2  }
0x9d: {  	[timem:s6], [sflag:s22] =	dma.local [hbm:s4], s20  }
0x9e: {  	_ =	swait.ge [sflag:s22], s20  }
0x9f: {  	s3 =	ssub.s32 $0x0, s20;
	[sflag:s22] =	ssyncset.done $0x0  }
0xa0: {  	[sflag:s22] =	ssyncadd.s32 s3;
	_ =	sdelay $0x1  }
0xa1: {  	s23 =	simm.s32 $0x1B8B  }
0xa2: {  	_ =	swait.ge [sflag:s23], $0x1  }
0xa3: {  	[sflag:s23] =	ssyncset.done $0x0  }
0xa4: {  	s25 =	simm.s32 $0x1B8E;
	s24 =	sld [smem:$0x3FFE];
	[sflag:s23] =	ssyncadd.s32 $0xFFFFFFFF  }
0xa5: {  	s26 =	simm.s32 $execute0_lowered;
	[smem:$0x3FD2] =	sst s25  }
0xa6: {  	s4 =	sshll.u32 s26, $0x1;
	_ =	strace $0x80000049;
	[dreg:$0x1] =	wrdreg $0xFFFFFFFF  }
0xa7: {  	s28 =	simm.s32 $_size_execute0_lowered;
	s2 =	sadd.s32 s2, s4;
	[dreg:$0x0] =	wrdreg $0x0  }
0xa8: {  	s4 =	sshll.u32 s28, $0x1;
	[dreg:$0x2] =	wrdreg s2  }
0xa9: {  	[dreg:$0x3] =	wrdreg s4  }
0xaa: {  	[dreg:$0x4] =	wrdreg $0xC0  }
0xab: {  	_ =	task [dreg:s6], $0x5FFFF  }
0xac: {  	[dreg:$0x1] =	wrdreg $0xFFFFFFFF  }
0xad: {  	[dreg:$0x0] =	wrdreg $0x60  }
0xae: {  	[dreg:$0x2] =	wrdreg s24  }
0xaf: {  	[dreg:$0x3] =	wrdreg $0x9  }
0xb0: {  	_ =	task.clear_ibuf [dreg:s6], $0x4FFFF;
	_ =	strace $0x90000049  }
0xb1: {  	s29 =	simm.s32 $0x9;
	_ =	strace $0x8000004B  }
0xb2: {  	_ =	swait.ge [sflag:s29], $0x1  }
0xb3: {  	[sflag:s29] =	ssyncadd.s32 $0xFFFFFFFF  }
0xb4: {  	_ =	strace $0x9000004B  }
0xb5: {  	_ =	sfence  }
0xb6: {  	s30 =	sld [smem:$0x0];
	_ =	sdelay $0x2  }
0xb7: {  	s31 =	sshll.u32 s1, $0xD;
	s1 =	sshrl.u32 s1, $0x2  }
0xb8: {  	s3 =	sand.u32 $0x4000, s31;
	s1 =	sadd.s32 s1, s30  }
0xb9: {  	s0 =	sor.u32 s3, s0;
	s1 =	sshll.u32 s1, $0x11  }
0xba: {  	s0 =	sor.u32 s1, s0  }
0xbb: {  	s0 =	sadd.s32 $0x8F2B, s0  }
0xbc: {  	[sflag:s0] =	ssyncadd.remote.s32 $0x1  }
0xbd: {  	_ =	sfence.sel $0xFFFF  }
0xbe: {  	[dreg:$0x0] =	wrdreg $0xFFFFFFFF;
	(pc) =	sbr.abs _section_cstart, $3  }
0xbf: {  	[dreg:$0x1] =	wrdreg $0xFFFFFFFF  }
0xc0: {  	_ =	task.clear_ibuf [dreg:s6], $0x2FFFF;
	_ =	strace $0x9FFFFFFF  }
0xc1: {  	(tm) =	ssettm $0x7FFFFFFF  }
tec
execute0_lowered:
.L_overlay_start_1:
0x0: {  	(tag) =	ssettag $0x1  }
0x1: {  	s0 =	srdreg.scid;
	s5 =	rddreg [dreg:$0x0]  }
0x2: {  	s1 =	stileid.u32;
	s6 =	simm.s32 $0x1;
	s9 =	simm.s32 $0x1  }
0x3: {  	s10 =	simm.s32 $0x3;
	s13 =	simm.s32 $0x0;
	s2 =	sshll.u32 s0, $0x8  }
0x4: {  	s12 =	simm.s32 $0x0;
	s3 =	sshll.u32 s1, $0x9;
	s2 =	sand.u32 $0x100, s2  }
0x5: {  	s0 =	rddreg [dreg:$0x1];
	_ =	strace $0x8000004A;
	s2 =	sor.u32 s3, s2  }
0x6: {  	s4 =	sadd.s32 $0x1CA00, s5;
	[sflag:s6] =	ssyncpa.u1 $0x0;
	s8 =	ssub.s32 $0x3000, s2  }
.Ltmp0:
0x7: {  	s3 =	sadd.s32 $0x18A00, s5;
	s7 =	sand.u32 $0x1F00, s8;
	(pc) =	sbr.rel .LBB2_1-.Ltmp0, $4  }
0x8: {  	s5 =	sadd.s32 $0x1D000, s5;
	s11 =	smov.u32 s2;
	p0 =	sne.s32 s7, $0x0  }
0x9: {  	s8 =	sshrl.u32 s8, $0xD;
	s7 =	simm.s32 $0x2;
	s9 =	simm.s32 @!p0 $0x0  }
0xa: {  	[sflag:s7] =	ssyncpa.u1 $0x0;
	p0 =	por $0x0, $0x0;
	s8 =	sadd.s32 s9, s8  }
0xb: {  	vm0 =	vmmov $0xffff;
	[sflag:s10] =	ssyncpa.u1 $0x0;
	s10 =	simm.s32 $0x0;
	s9 =	sadd.s32 $0x1, s8  }
.LBB2_4:
0xc: {  	vm1 =	veq.s32 v0, $0x80000000;
	v63 =	vand.u32 $0x7F, v0;
	v2 =	vand.u32 $0x3FF, v2  }
0xd: {  	v0 =	vsel vm1, $0xFFFFFFFF, v63;
	v2 =	vsel vm1, $0xFFFFFFFF, v2  }
0xe: {  	v3 =	vshll.u32 v0, $0xA;
	v4 =	vshll.u32 v2, $0x3  }
0xf: {  	v0 =	vshll.u32 v0, $0x7;
	v3 =	vand.u32 $0xFFFFE000, v3;
	v4 =	vand.u32 $0xFFFFFC00, v4  }
0x10: {  	v0 =	vand.u32 $0x380, v0;
	v3 =	vadd.s32 v3, v4  }
0x11: {  	v2 =	vand.u32 $0x7F, v2;
	v0 =	vor.u32 v0, v3  }
0x12: {  	v0 =	vor.u32 v2, v0;
	_ =	sdelay $0x1  }
0x13: {  	(ifvalue) =	ssetifvalue $0x7FFFFFFF;
	s14 =	sadd.s32 $0x10, s14  }
0x14: {  	[tilespmem:s14], [sflag:$0x1] =	stream.indirect_vreg.gather [hbm4b:s3+s10], $0x1, v1, vm0, $0x4038;
	[tilespmem:$0x400] =	vst v63  }
0x15: {  	(ifvalue) =	ssetifvalue $0x7FFFFFFF;
	s14 =	sadd.s32 $0x10, s14  }
0x16: {  	[tilespmem:s14], [sflag:$0x1] =	stream.indirect_vreg.gather [hbm4b:s3+s10], $0x1, v0, vm0, $0x4038;
	[tilespmem:$0x400] =	vst v63  }
0x17: {  	_ =	swait.ge [sflag:s6], $0x100  }
0x18: {  	s30 =	sshrl.u32 s13, $0x3;
	[sflag:s6] =	ssyncset.done $0x0  }
0x19: {  	s31 =	sand.u32 $0x7, s13;
	s14 =	sadd.s32 s5, s30;
	[sflag:s6] =	ssyncadd.s32 $0xFFFFFF00  }
0x1a: {  	[hbm4b:s14+s31] =	stream.linear.scatter [tilespmem:s15], [sflag:$0x3], $0x100, $0x38;
	[tilespmem:$0x400] =	vst v63  }
.LBB2_5:
0x1b: {  	s15 =	sadd.s32 $0x2000, s11  }
0x1c: {  	p2 =	sgt.s32 s15, $0x2FFF  }
0x1d: {  	s15 =	smov.u32 @p2 s2;
	p2 =	sne.s32 s12, s9  }
.Ltmp1:
0x1e: {  	p1 =	slt.u32 s12, $0x2;
	(pc) =	sbr.rel @!p2 .LBB2_6-.Ltmp1, $4  }
0x1f: {  	s14 =	simm.s32 @!p1 $0x3  }
0x20: {  	s16 =	sadd.s32 $0x1, s12;
	_ =	swait.ge @!p1 [sflag:s14], $0x100  }
0x21: {  	s13 =	smov.u32 s11;
	p0 =	por !p0, !p0;
	[sflag:s14] =	ssyncset.done @!p1 $0x0  }
0x22: {  	s12 =	smov.u32 s16;
	s11 =	smov.u32 s15;
	[sflag:s14] =	ssyncadd.s32 @!p1 $0xFFFFFF00  }
.LBB2_1:
0x23: {  	p1 =	sge.u32 s12, s8  }
0x24: {  	s14 =	sxor.u32 @!p1 $0xFFFFFFFF, s12  }
0x25: {  	s31 =	sadd.s32 $0xFFFFFFFF, s12;
	s15 =	sshrl.u32 @!p1 s11, $0x3;
	s14 =	sshll.u32 @!p1 s14, $0x8  }
0x26: {  	s16 =	sand.u32 @!p1 $0x7, s11;
	s15 =	sadd.s32 @!p1 s4, s15;
	s14 =	sand.u32 @!p1 $0x100, s14  }
0x27: {  	[tilespmem:s14], [sflag:$0x2] =	stream.linear.gather @!p1 [hbm4b:s15+s16], $0x100, $0x38;
	[tilespmem:$0x400] =	vst v63  }
0x28: {  	p1 =	sge.u32 s31, s8  }
.Ltmp2:
0x29: {  	_ = 	snop;
	(pc) =	sbr.rel @p1 .LBB2_5-.Ltmp2, $1  }
0x2a: {  	_ =	sdelay $0x3  }
0x2b: {  	s14 =	simm.s32 $0x1  }
0x2c: {  	_ =	swait.ge [sflag:s7], $0x100;
	s14 =	simm.s32 @!p0 $0x0  }
0x2d: {  	[sflag:s7] =	ssyncset.done $0x0;
	s14 =	sshll.u32 s14, $0x8  }
0x2e: {  	[sflag:s7] =	ssyncadd.s32 $0xFFFFFF00;
	(ifvalue) =	ssetifvalue $0x7FFFFFFF;
	v0 =	vld.msk [tilespmem:s14+$0x0 ss:$0x1], $0xffff;
	_ =	sdelay $0x3  }
0x2f: {  	s15 =	sadd.s32 $0x10, s14  }
0x30: {  	v2 =	vld.msk [tilespmem:s15+$0x0 ss:$0x1], $0xffff;
	v1 =	vshrl.u32 v0, $0x7  }
0x31: {  	vm1 =	veq.s32 v0, $0x80000000;
	v0 =	vand.u32 $0x7F, v0;
	v1 =	vand.u32 $0x3FF, v1  }
0x32: {  	v0 =	vsel vm1, $0xFFFFFFFF, v0;
	v1 =	vsel vm1, $0xFFFFFFFF, v1  }
0x33: {  	v3 =	vshll.u32 v0, $0xA;
	v4 =	vshll.u32 v1, $0x3  }
0x34: {  	v0 =	vshll.u32 v0, $0x7;
	v3 =	vand.u32 $0xFFFFE000, v3;
	v4 =	vand.u32 $0xFFFFFC00, v4  }
0x35: {  	vm1 =	veq.s32 v2, $0x80000000;
	v0 =	vand.u32 $0x380, v0;
	v3 =	vadd.s32 v3, v4  }
0x36: {  	v1 =	vand.u32 $0x7F, v1;
	v0 =	vor.u32 v0, v3;
	v3 =	vshrl.u32 v2, $0x7  }
0x37: {  	s17 =	sadd.s32 $0x10, s15;
	v2 =	vand.u32 $0x7F, v2;
	v1 =	vor.u32 v1, v0;
	v3 =	vand.u32 $0x3FF, v3  }
0x38: {  	v0 =	vld.msk [tilespmem:s17+$0x0 ss:$0x1], $0xffff;
	v2 =	vsel vm1, $0xFFFFFFFF, v2;
	v3 =	vsel vm1, $0xFFFFFFFF, v3  }
0x39: {  	v63 =	vshll.u32 v2, $0xA;
	v5 =	vshll.u32 v3, $0x3  }
0x3a: {  	s31 =	sshll.u32 s12, $0x8;
	v2 =	vshll.u32 v2, $0x7;
	v4 =	vand.u32 $0xFFFFE000, v63;
	v5 =	vand.u32 $0xFFFFFC00, v5  }
0x3b: {  	s14 =	sor.u32 $0x200, s14;
	s15 =	sand.u32 $0x100, s31;
	(ifvalue) =	ssetifvalue $0x7FFFFFFF;
	v2 =	vand.u32 $0x380, v2;
	v4 =	vadd.s32 v4, v5  }
0x3c: {  	[tilespmem:s14], [sflag:$0x1] =	stream.indirect_vreg.gather [hbm4b:s3+s10], $0x1, v1, vm0, $0x4038;
	v1 =	vand.u32 $0x7F, v3;
	v3 =	vor.u32 v2, v4;
	[tilespmem:$0x400] =	vst v63  }
0x3d: {  	s16 =	simm.s32 $0x20;
	s15 =	sor.u32 $0x200, s15;
	s17 =	sadd.s32 $0x10, s17;
	v2 =	vshrl.u32 v0, $0x7;
	v1 =	vor.u32 v1, v3  }
.LBB2_3:
0x3e: {  	s16 =	sadd.s32 $0x10, s16;
	vm1 =	veq.s32 v0, $0x80000000;
	v3 =	vand.u32 $0x7F, v0;
	v0 =	vld.msk [tilespmem:s17+$0x0 ss:$0x1], $0xffff;
	v2 =	vand.u32 $0x3FF, v2  }
0x3f: {  	p1 =	slt.u32 s16, $0xF0;
	v3 =	vsel vm1, $0xFFFFFFFF, v3;
	v2 =	vsel vm1, $0xFFFFFFFF, v2  }
.Ltmp3:
0x40: {  	v4 =	vshll.u32 v3, $0xA;
	v5 =	vshll.u32 v2, $0x3;
	(pc) =	sbr.rel @p1 .LBB2_3-.Ltmp3, $4  }
0x41: {  	s14 =	sadd.s32 $0x10, s14;
	v3 =	vshll.u32 v3, $0x7;
	v4 =	vand.u32 $0xFFFFE000, v4;
	v5 =	vand.u32 $0xFFFFFC00, v5;
	(ifvalue) =	ssetifvalue $0x7FFFFFFF  }
0x42: {  	v3 =	vand.u32 $0x380, v3;
	v4 =	vadd.s32 v4, v5;
	[tilespmem:s14], [sflag:$0x1] =	stream.indirect_vreg.gather [hbm4b:s3+s10], $0x1, v1, vm0, $0x4038;
	[tilespmem:$0x400] =	vst v63  }
0x43: {  	v1 =	vand.u32 $0x7F, v2;
	v3 =	vor.u32 v3, v4  }
0x44: {  	s17 =	sadd.s32 $0x10, s17;
	v2 =	vshrl.u32 v0, $0x7;
	v1 =	vor.u32 v1, v3  }
.Ltmp4:
0x45: {  	_ = 	snop;
	(pc) =	sbr.rel .LBB2_4-.Ltmp4, $1  }
0x46: {  	_ =	sdelay $0x3  }
.LBB2_6:
0x47: {  	_ =	sfence.sel $0x180000  }
0x48: {  	s2 =	simm.s32 $0x2;
	[bflag:$0x0] =	sbarrier.arrive $0xFFFF  }
0x49: {  	s30 =	simm.s32 $0x3;
	[sflag:s2] =	ssyncpa.u1 $0x1  }
0x4a: {  	s31 =	simm.s32 $0x1;
	[sflag:s30] =	ssyncpa.u1 $0x1  }
0x4b: {  	[sflag:s31] =	ssyncpa.u1 $0x1  }
0x4c: {  	p0 =	sne.s32 s1, $0x0;
	_ =	strace $0x9000004A  }
0x4d: {  	s0 =	sadd.s32 @!p0 $0x100000, s0;
	[bflag:$0x2] =	sbarrier.arrive $0xFFFF  }
0x4e: {  	[sflag:s0] =	ssyncadd.tile.s32 @!p0 $0x1;
	_ =	shalt  }
.Lfunc_end2:
_tile_overlayer_lowered:
.L_overlay_start_2:
0x4f: {  	(tag) =	ssettag $0x2  }
0x50: {  	s0 =	rddreg [dreg:$0x0];
	s2 =	stileid.u32  }
0x51: {  	s1 =	rddreg [dreg:$0x1];
	p0 =	sne.s32 s2, $0x0  }
0x52: {  	s3 =	rddreg [dreg:$0x2];
	[bflag:$0x3] =	sbarrier.arrive $0xFFFF;
	s2 =	simm.s32 @!p0 $0x1C01  }
0x53: {  	[timem:s3], [sflag:s2] =	dma.local @!p0 [hbm:s0], s1  }
0x54: {  	s0 =	simm.s32 @!p0 $0x1  }
0x55: {  	_ =	swait.ge @!p0 [sflag:s0], s1  }
0x56: {  	s1 =	ssub.s32 @!p0 $0x0, s1;
	[sflag:s0] =	ssyncset.done @!p0 $0x0  }
0x57: {  	[sflag:s0] =	ssyncadd.s32 @!p0 s1  }
0x58: {  	[bflag:$0x3] =	sbarrier.arrive $0xFFFF  }
0x59: {  	_ =	shalt  }

// kernel: gather_offload_async_start.2
scs
__scs_entry_jumppad:
0x0: {  	(pc) =	sbr.rel $0x88, $3  }
0x1: {  	(tag) =	ssettag $0x0;
	lr =	simm.s32 $0x1  }
0x2: {  	[smem:$0x3F9A] =	sst lr;
	_ =	strace $0xD0000000  }
0x3: {  	_ = 	snop  }
0x4: {  	_ = 	snop  }
0x5: {  	_ = 	snop  }
0x6: {  	_ = 	snop  }
0x7: {  	_ = 	snop  }
__scs_overlays_trampoline_lowered:
0x8: {  	[smem:$0x3FA9] =	sst s0  }
0x9: {  	[smem:$0x3FAA] =	sst s1  }
0xa: {  	[smem:$0x3FAB] =	sst s2  }
0xb: {  	[smem:$0x3FAC] =	sst s3  }
0xc: {  	[smem:$0x3FAD] =	sst s4  }
0xd: {  	[smem:$0x3FAE] =	sst s5  }
0xe: {  	[smem:$0x3FAF] =	sst s6  }
0xf: {  	[smem:$0x3FB0] =	sst s7  }
0x10: {  	[smem:$0x3FB1] =	sst s8  }
0x11: {  	[smem:$0x3FB2] =	sst s9;
	s0 =	simm.s32 @!p0 $0x0  }
0x12: {  	s1 =	sld [smem:$0x3F98];
	s0 =	simm.s32 @p0 $0x1  }
0x13: {  	[smem:$0x3FB3] =	sst s0;
	s0 =	simm.s32 @!p1 $0x0  }
0x14: {  	s2 =	sld [smem:$0x3F97];
	s0 =	simm.s32 @p1 $0x1  }
0x15: {  	[smem:$0x3FB4] =	sst s0;
	s0 =	simm.s32 @!p2 $0x0  }
0x16: {  	s3 =	sld [smem:$0x3FDB];
	s0 =	simm.s32 @p2 $0x1  }
0x17: {  	s4 =	simm.s32 $0x1BF5;
	[smem:$0x3FB6] =	sst s0  }
0x18: {  	s0 =	sld [smem:$0x3F99];
	_ =	swait.ge [sflag:s4], $0x0  }
0x19: {  	s7 =	sld [smem:$0x3F9A]  }
0x1a: {  	s8 =	sadd.s32 $0xFFFFE003, lr  }
0x1b: {  	s9 =	sadd.s32 $0xFFFFFEF7, lr;
	s5 =	simm.s32 $0xFFFFFFFF;
	p2 =	slt.u32 s8, $0xFFFFF086  }
0x1c: {  	p1 =	slt.u32 s9, $0xF7A;
	s5 =	simm.s32 @!p2 $0x0  }
0x1d: {  	s5 =	simm.s32 @p1 $0x1;
	p0 =	seq.s32 s7, s2  }
0x1e: {  	s7 =	smul.u32 @!p0 $0xF7A, s2;
	p2 =	seq.s32 @!p0 s5, $0x0  }
0x1f: {  	s9 =	smul.u32 $0xF7A, s1;
	s8 =	simm.s32 @!p0 $0x1BF5;
	p2 =	por !p2, p0  }
0x20: {  	[sflag:s8] =	ssyncset.s32 @!p0 $0xFFFFF086;
	s6 =	sadd.s32 @!p0 s3, s7;
	s7 =	simm.s32 @!p0 $0x108  }
0x21: {  	s3 =	sadd.s32 s3, s9;
	s6 =	sadd.s32 @!p0 $0x88, s6;
	s7 =	simm.s32 @p2 $0x1082  }
0x22: {  	[simem:s7], [sflag:s8] =	dma.local @!p0 [hbm:s6], $0xF7A  }
0x23: {  	s9 =	sor.u32 $0xD0000000, s2;
	s6 =	simm.s32 $0x108;
	_ =	swait.ge @!p0 [sflag:s8], $0x0  }
0x24: {  	s3 =	sadd.s32 $0x88, s3;
	s6 =	simm.s32 @!p1 $0x1082;
	[sflag:s4] =	ssyncset.s32 $0xFFFFF086  }
0x25: {  	[simem:s6], [sflag:s4] =	dma.local [hbm:s3], $0xF7A  }
0x26: {  	[smem:$0x3F9A] =	sst s1;
	(tag) =	ssettag s2;
	_ =	strace s9  }
0x27: {  	s1 =	sld [smem:$0x3FAA]  }
0x28: {  	s2 =	sld [smem:$0x3FAB]  }
0x29: {  	s4 =	sld [smem:$0x3FAD]  }
0x2a: {  	p0 =	seq.s32 s5, $0x0;
	s5 =	sld [smem:$0x3FAE]  }
0x2b: {  	s6 =	sld [smem:$0x3FAF]  }
0x2c: {  	s7 =	sld [smem:$0x3FB0]  }
0x2d: {  	s3 =	simm.s32 $0x108;
	s8 =	sld [smem:$0x3FB1]  }
0x2e: {  	s3 =	simm.s32 @!p0 $0x1082;
	s9 =	sld [smem:$0x3FB2]  }
0x2f: {  	lr =	sadd.s32 s0, s3;
	s0 =	sld [smem:$0x3FA9]  }
0x30: {  	s3 =	sld [smem:$0x3FAC]  }
0x31: {  	[smem:$0x3FB5] =	sst s10  }
0x32: {  	s10 =	sld [smem:$0x3FB3];
	_ =	sdelay $0x3  }
0x33: {  	p0 =	seq.s32 s10, $0x1;
	s10 =	sld [smem:$0x3FB5];
	_ =	sdelay $0x3  }
0x34: {  	[smem:$0x3FB5] =	sst s10  }
0x35: {  	s10 =	sld [smem:$0x3FB4];
	_ =	sdelay $0x3  }
0x36: {  	p1 =	seq.s32 s10, $0x1;
	s10 =	sld [smem:$0x3FB5];
	_ =	sdelay $0x3  }
0x37: {  	[smem:$0x3FB5] =	sst s10  }
0x38: {  	s10 =	sld [smem:$0x3FB6]  }
0x39: {  	_ = 	snop;
	(pc) =	sbr.ind lr, $3  }
0x3a: {  	_ = 	snop  }
0x3b: {  	_ = 	snop  }
0x3c: {  	p2 =	seq.s32 s10, $0x1;
	s10 =	sld [smem:$0x3FB5]  }
0x3d: {  	_ =	shalt  }
0x3e: {  	_ =	shalt  }
0x3f: {  	_ =	shalt  }
0x40: {  	_ =	shalt  }
0x41: {  	_ =	shalt  }
0x42: {  	_ =	shalt  }
0x43: {  	_ =	shalt  }
0x44: {  	_ =	shalt  }
0x45: {  	_ =	shalt  }
0x46: {  	_ =	shalt  }
0x47: {  	_ =	shalt  }
0x48: {  	_ =	shalt  }
0x49: {  	_ =	shalt  }
0x4a: {  	_ =	shalt  }
0x4b: {  	_ =	shalt  }
0x4c: {  	_ =	shalt  }
0x4d: {  	_ =	shalt  }
0x4e: {  	_ =	shalt  }
0x4f: {  	_ =	shalt  }
0x50: {  	_ =	shalt  }
0x51: {  	_ =	shalt  }
0x52: {  	_ =	shalt  }
0x53: {  	_ =	shalt  }
0x54: {  	_ =	shalt  }
0x55: {  	_ =	shalt  }
0x56: {  	_ =	shalt  }
0x57: {  	_ =	shalt  }
0x58: {  	_ =	shalt  }
0x59: {  	_ =	shalt  }
0x5a: {  	_ =	shalt  }
0x5b: {  	_ =	shalt  }
0x5c: {  	_ =	shalt  }
0x5d: {  	_ =	shalt  }
0x5e: {  	_ =	shalt  }
0x5f: {  	_ =	shalt  }
0x60: {  	_ =	shalt  }
0x61: {  	_ =	shalt  }
0x62: {  	_ =	shalt  }
0x63: {  	_ =	shalt  }
0x64: {  	_ =	shalt  }
0x65: {  	_ =	shalt  }
0x66: {  	_ =	shalt  }
0x67: {  	_ =	shalt  }
0x68: {  	_ =	shalt  }
0x69: {  	_ =	shalt  }
0x6a: {  	_ =	shalt  }
0x6b: {  	_ =	shalt  }
0x6c: {  	_ =	shalt  }
0x6d: {  	_ =	shalt  }
0x6e: {  	_ =	shalt  }
0x6f: {  	_ =	shalt  }
0x70: {  	_ =	shalt  }
0x71: {  	_ =	shalt  }
0x72: {  	_ =	shalt  }
0x73: {  	_ =	shalt  }
0x74: {  	_ =	shalt  }
0x75: {  	_ =	shalt  }
0x76: {  	_ =	shalt  }
0x77: {  	_ =	shalt  }
0x78: {  	_ =	shalt  }
0x79: {  	_ =	shalt  }
0x7a: {  	_ =	shalt  }
0x7b: {  	_ =	shalt  }
0x7c: {  	_ =	shalt  }
0x7d: {  	_ =	shalt  }
0x7e: {  	_ =	shalt  }
0x7f: {  	_ =	shalt  }
0x80: {  	_ =	shalt  }
0x81: {  	_ =	shalt  }
0x82: {  	_ =	shalt  }
0x83: {  	_ =	shalt  }
0x84: {  	_ =	shalt  }
0x85: {  	_ =	shalt  }
0x86: {  	_ =	shalt  }
0x87: {  	_ =	shalt  }
.Lfunc_end0:
.L_simem_size_0:
called_computation.2_lowered:
.L_overlay_start_0:
0x88: {  	s2 =	sld [smem:$0x3FD9]  }
0x89: {  	s3 =	sld [smem:$0x3FFE];
	_ =	sdelay $0x1  }
0x8a: {  	s1 =	srdreg.scid  }
0x8b: {  	s0 =	sand.u32 $0x1, s1  }
0x8c: {  	s16 =	sshll.u32 s0, $0xA;
	s2 =	sadd.s32 s3, s2  }
0x8d: {  	s2 =	sadd.s32 s2, s16  }
0x8e: {  	[smem:$0x3FC1] =	sst s2  }
0x8f: {  	_ = 	snop  }
0x90: {  	(tm) =	ssettm $0x1  }
0x91: {  	s17 =	sld [smem:$0x3FFB];
	_ =	sdelay $0x3  }
0x92: {  	_ =	strace s17  }
0x93: {  	s2 =	sld [smem:$0x3FFC];
	_ =	sdelay $0x3  }
0x94: {  	_ =	strace s2  }
0x95: {  	s2 =	sld [smem:$0x3FFD];
	_ =	sdelay $0x3  }
0x96: {  	_ =	strace s2  }
0x97: {  	_ =	strace $0x8FFFFFFF  }
0x98: {  	s18 =	sld [smem:$0x3FDB];
	_ =	sdelay $0x1  }
0x99: {  	s19 =	simm.s32 $_scs_section_size  }
0x9a: {  	s4 =	simm.s32 $_size__tile_overlayer_lowered;
	s5 =	simm.s32 $_tile_overlayer_lowered  }
0x9b: {  	s22 =	simm.s32 $0x1BFF;
	s21 =	sshll.u32 s5, $0x1;
	s2 =	sadd.s32 s19, s18  }
0x9c: {  	s6 =	simm.s32 $0x0;
	s20 =	sshll.u32 s4, $0x1;
	s4 =	sadd.s32 s21, s2  }
0x9d: {  	[timem:s6], [sflag:s22] =	dma.local [hbm:s4], s20  }
0x9e: {  	_ =	swait.ge [sflag:s22], s20  }
0x9f: {  	s3 =	ssub.s32 $0x0, s20;
	[sflag:s22] =	ssyncset.done $0x0  }
0xa0: {  	[sflag:s22] =	ssyncadd.s32 s3;
	_ =	sdelay $0x1  }
0xa1: {  	s23 =	simm.s32 $0x1B8B  }
0xa2: {  	_ =	swait.ge [sflag:s23], $0x1  }
0xa3: {  	[sflag:s23] =	ssyncset.done $0x0  }
0xa4: {  	s25 =	simm.s32 $0x1B8E;
	s24 =	sld [smem:$0x3FFE];
	[sflag:s23] =	ssyncadd.s32 $0xFFFFFFFF  }
0xa5: {  	s26 =	simm.s32 $execute0_lowered;
	[smem:$0x3FD2] =	sst s25  }
0xa6: {  	s4 =	sshll.u32 s26, $0x1;
	_ =	strace $0x8000004C;
	[dreg:$0x1] =	wrdreg $0xFFFFFFFF  }
0xa7: {  	s28 =	simm.s32 $_size_execute0_lowered;
	s2 =	sadd.s32 s2, s4;
	[dreg:$0x0] =	wrdreg $0x0  }
0xa8: {  	s4 =	sshll.u32 s28, $0x1;
	[dreg:$0x2] =	wrdreg s2  }
0xa9: {  	[dreg:$0x3] =	wrdreg s4  }
0xaa: {  	[dreg:$0x4] =	wrdreg $0xC0  }
0xab: {  	_ =	task [dreg:s6], $0x5FFFF  }
0xac: {  	[dreg:$0x1] =	wrdreg $0xFFFFFFFF  }
0xad: {  	[dreg:$0x0] =	wrdreg $0x60  }
0xae: {  	[dreg:$0x2] =	wrdreg s24  }
0xaf: {  	[dreg:$0x3] =	wrdreg $0x9  }
0xb0: {  	_ =	task.clear_ibuf [dreg:s6], $0x4FFFF;
	_ =	strace $0x9000004C  }
0xb1: {  	s29 =	simm.s32 $0x9;
	_ =	strace $0x8000004E  }
0xb2: {  	_ =	swait.ge [sflag:s29], $0x1  }
0xb3: {  	[sflag:s29] =	ssyncadd.s32 $0xFFFFFFFF  }
0xb4: {  	_ =	strace $0x9000004E  }
0xb5: {  	_ =	sfence  }
0xb6: {  	s30 =	sld [smem:$0x0];
	_ =	sdelay $0x2  }
0xb7: {  	s31 =	sshll.u32 s1, $0xD;
	s1 =	sshrl.u32 s1, $0x2  }
0xb8: {  	s3 =	sand.u32 $0x4000, s31;
	s1 =	sadd.s32 s1, s30  }
0xb9: {  	s0 =	sor.u32 s3, s0;
	s1 =	sshll.u32 s1, $0x11  }
0xba: {  	s0 =	sor.u32 s1, s0  }
0xbb: {  	s0 =	sadd.s32 $0x8F2B, s0  }
0xbc: {  	[sflag:s0] =	ssyncadd.remote.s32 $0x1  }
0xbd: {  	_ =	sfence.sel $0xFFFF  }
0xbe: {  	[dreg:$0x0] =	wrdreg $0xFFFFFFFF;
	(pc) =	sbr.abs _section_cstart, $3  }
0xbf: {  	[dreg:$0x1] =	wrdreg $0xFFFFFFFF  }
0xc0: {  	_ =	task.clear_ibuf [dreg:s6], $0x2FFFF;
	_ =	strace $0x9FFFFFFF  }
0xc1: {  	(tm) =	ssettm $0x7FFFFFFF  }
tec
execute0_lowered:
.L_overlay_start_1:
0x0: {  	(tag) =	ssettag $0x1  }
0x1: {  	s0 =	srdreg.scid  }
0x2: {  	s2 =	rddreg [dreg:$0x0];
	s1 =	stileid.u32;
	s6 =	simm.s32 $0x1  }
0x3: {  	s9 =	simm.s32 $0x1;
	s10 =	simm.s32 $0x3;
	s3 =	sshll.u32 s0, $0xC  }
0x4: {  	s13 =	simm.s32 $0x0;
	s4 =	sshll.u32 s1, $0xD;
	s3 =	sand.u32 $0x1000, s3  }
0x5: {  	s12 =	simm.s32 $0x0;
	s0 =	rddreg [dreg:$0x1];
	s3 =	sor.u32 s4, s3  }
0x6: {  	_ =	strace $0x8000004D;
	s5 =	sadd.s32 $0x6000, s2;
	s8 =	ssub.s32 $0x30000, s3  }
.Ltmp0:
0x7: {  	[sflag:s6] =	ssyncpa.u1 $0x0;
	s7 =	sand.u32 $0x1F000, s8;
	(pc) =	sbr.rel .LBB2_1-.Ltmp0, $4  }
0x8: {  	s4 =	sadd.s32 $0x928C00, s2;
	s11 =	smov.u32 s3;
	p0 =	sne.s32 s7, $0x0  }
0x9: {  	s8 =	sshrl.u32 s8, $0x11;
	s7 =	simm.s32 $0x2;
	s9 =	simm.s32 @!p0 $0x0  }
0xa: {  	[sflag:s7] =	ssyncpa.u1 $0x0;
	p0 =	por $0x0, $0x0;
	s8 =	sadd.s32 s9, s8  }
0xb: {  	vm0 =	vmmov $0xffff;
	[sflag:s10] =	ssyncpa.u1 $0x0;
	s10 =	simm.s32 $0x0;
	s9 =	sadd.s32 $0x1, s8  }
.LBB2_4:
0xc: {  	vm1 =	veq.s32 v4, $0x80000000;
	v56 =	vand.u32 $0x7F, v4;
	v6 =	vand.u32 $0x1FFFF, v6  }
0xd: {  	v2 =	vor.u32 v2, v5;
	v59 =	vshrl.u32 v1, $0x7;
	v60 =	vand.u32 $0x7F, v1  }
0xe: {  	v4 =	vsel vm1, $0xFFFFFFFF, v56;
	v6 =	vsel vm1, $0xFFFFFFFF, v6;
	v2 =	vor.u32 v3, v2  }
0xf: {  	vm1 =	veq.s32 v1, $0x80000000;
	v5 =	vand.u32 $0x1FFFF, v59;
	v7 =	vshrl.u32 v4, $0x3  }
0x10: {  	v57 =	vshll.u32 v6, $0x3;
	v4 =	vshll.u32 v4, $0x7;
	v1 =	vsel vm1, $0xFFFFFFFF, v60  }
0x11: {  	v5 =	vsel vm1, $0xFFFFFFFF, v5;
	v6 =	vand.u32 $0x7F, v6;
	v7 =	vmul.u32 $0xC3800, v7  }
0x12: {  	v58 =	vand.u32 $0xFFFFFC00, v57;
	v4 =	vand.u32 $0x380, v4;
	v61 =	vshrl.u32 v1, $0x3  }
0x13: {  	v62 =	vshll.u32 v5, $0x3;
	v3 =	vadd.s32 v7, v58;
	v7 =	vmul.u32 $0xC3800, v61  }
0x14: {  	v1 =	vshll.u32 v1, $0x7;
	v3 =	vor.u32 v4, v3;
	v4 =	vand.u32 $0xFFFFFC00, v62  }
0x15: {  	v1 =	vand.u32 $0x380, v1;
	v3 =	vor.u32 v6, v3;
	v4 =	vadd.s32 v7, v4  }
0x16: {  	[tilespmem:s16], [sflag:$0x1] =	stream.indirect_vreg.gather [hbm4b:s4+s10], $0x1, v0, vm0, $0x4038;
	v63 =	vand.u32 $0x7F, v5;
	v1 =	vor.u32 v1, v4;
	[tilespmem:$0x4000] =	vst v63  }
0x17: {  	s15 =	sadd.s32 $0x10, s15;
	(ifvalue) =	ssetifvalue $0x7FFFFFFF;
	v0 =	vor.u32 v63, v1  }
0x18: {  	[tilespmem:s15], [sflag:$0x1] =	stream.indirect_vreg.gather [hbm4b:s4+s10], $0x1, v2, vm0, $0x4038;
	[tilespmem:$0x4000] =	vst v63  }
0x19: {  	s15 =	sadd.s32 $0x10, s15;
	(ifvalue) =	ssetifvalue $0x7FFFFFFF  }
0x1a: {  	[tilespmem:s15], [sflag:$0x1] =	stream.indirect_vreg.gather [hbm4b:s4+s10], $0x1, v3, vm0, $0x4038;
	[tilespmem:$0x4000] =	vst v63  }
0x1b: {  	s15 =	sadd.s32 $0x10, s15;
	(ifvalue) =	ssetifvalue $0x7FFFFFFF  }
0x1c: {  	[tilespmem:s15], [sflag:$0x1] =	stream.indirect_vreg.gather [hbm4b:s4+s10], $0x1, v0, vm0, $0x4038;
	[tilespmem:$0x4000] =	vst v63  }
0x1d: {  	_ =	swait.ge [sflag:s6], $0x1000  }
0x1e: {  	s30 =	sshrl.u32 s13, $0x3;
	[sflag:s6] =	ssyncset.done $0x0  }
0x1f: {  	s31 =	sand.u32 $0x7, s13;
	s15 =	sadd.s32 s5, s30;
	[sflag:s6] =	ssyncadd.s32 $0xFFFFF000  }
0x20: {  	[hbm4b:s15+s31] =	stream.linear.scatter [tilespmem:s14], [sflag:$0x3], $0x1000, $0x38;
	[tilespmem:$0x4000] =	vst v63  }
.LBB2_5:
0x21: {  	s15 =	sadd.s32 $0x20000, s11  }
0x22: {  	p2 =	sgt.s32 s15, $0x2FFFF  }
0x23: {  	s15 =	smov.u32 @p2 s3;
	p2 =	sne.s32 s12, s9  }
.Ltmp1:
0x24: {  	p1 =	slt.u32 s12, $0x2;
	(pc) =	sbr.rel @!p2 .LBB2_6-.Ltmp1, $4  }
0x25: {  	s14 =	simm.s32 @!p1 $0x3  }
0x26: {  	s16 =	sadd.s32 $0x1, s12;
	_ =	swait.ge @!p1 [sflag:s14], $0x1000  }
0x27: {  	s13 =	smov.u32 s11;
	p0 =	por !p0, !p0;
	[sflag:s14] =	ssyncset.done @!p1 $0x0  }
0x28: {  	s12 =	smov.u32 s16;
	s11 =	smov.u32 s15;
	[sflag:s14] =	ssyncadd.s32 @!p1 $0xFFFFF000  }
.LBB2_1:
0x29: {  	p1 =	sge.u32 s12, s8  }
0x2a: {  	s14 =	sxor.u32 @!p1 $0xFFFFFFFF, s12  }
0x2b: {  	s31 =	sadd.s32 $0xFFFFFFFF, s12;
	s15 =	sshrl.u32 @!p1 s11, $0x3;
	s14 =	sshll.u32 @!p1 s14, $0xC  }
0x2c: {  	s16 =	sand.u32 @!p1 $0x7, s11;
	s15 =	sadd.s32 @!p1 s2, s15;
	s14 =	sand.u32 @!p1 $0x1000, s14  }
0x2d: {  	[tilespmem:s14], [sflag:$0x2] =	stream.linear.gather @!p1 [hbm4b:s15+s16], $0x1000, $0x38;
	[tilespmem:$0x4000] =	vst v63  }
0x2e: {  	p1 =	sge.u32 s31, s8  }
.Ltmp2:
0x2f: {  	_ = 	snop;
	(pc) =	sbr.rel @p1 .LBB2_5-.Ltmp2, $1  }
0x30: {  	_ =	sdelay $0x3  }
0x31: {  	s14 =	simm.s32 $0x1  }
0x32: {  	_ =	swait.ge [sflag:s7], $0x1000;
	s14 =	simm.s32 @!p0 $0x0  }
0x33: {  	[sflag:s7] =	ssyncset.done $0x0;
	s14 =	sshll.u32 s14, $0xC  }
0x34: {  	[sflag:s7] =	ssyncadd.s32 $0xFFFFF000;
	(ifvalue) =	ssetifvalue $0x7FFFFFFF;
	v0 =	vld.msk [tilespmem:s14+$0x0 ss:$0x1], $0xffff  }
0x35: {  	s15 =	sadd.s32 $0x10, s14  }
0x36: {  	v1 =	vld.msk [tilespmem:s15+$0x0 ss:$0x1], $0xffff;
	_ =	sdelay $0x2  }
0x37: {  	v2 =	vshrl.u32 v0, $0x7  }
0x38: {  	vm1 =	veq.s32 v0, $0x80000000;
	v0 =	vand.u32 $0x7F, v0;
	v2 =	vand.u32 $0x1FFFF, v2  }
0x39: {  	v0 =	vsel vm1, $0xFFFFFFFF, v0;
	v6 =	vshrl.u32 v1, $0x7;
	v2 =	vsel vm1, $0xFFFFFFFF, v2  }
0x3a: {  	v3 =	vshrl.u32 v0, $0x3;
	v0 =	vshll.u32 v0, $0x7;
	vm1 =	veq.s32 v1, $0x80000000  }
0x3b: {  	s15 =	sadd.s32 $0x10, s15;
	v1 =	vand.u32 $0x7F, v1;
	v4 =	vshll.u32 v2, $0x3;
	v3 =	vmul.u32 $0xC3800, v3  }
0x3c: {  	v0 =	vand.u32 $0x380, v0;
	v7 =	vand.u32 $0x7F, v2;
	v5 =	vand.u32 $0xFFFFFC00, v4;
	v4 =	vld.msk [tilespmem:s15+$0x0 ss:$0x1], $0xffff  }
0x3d: {  	v1 =	vsel vm1, $0xFFFFFFFF, v1;
	v2 =	vadd.s32 v3, v5;
	v3 =	vand.u32 $0x1FFFF, v6  }
0x3e: {  	v3 =	vsel vm1, $0xFFFFFFFF, v3;
	v0 =	vor.u32 v0, v2;
	v2 =	vshrl.u32 v1, $0x3  }
0x3f: {  	s16 =	sshll.u32 s12, $0xC;
	s18 =	simm.s32 $0x30;
	v1 =	vshll.u32 v1, $0x7;
	v5 =	vshll.u32 v3, $0x3;
	v8 =	vmul.u32 $0xC3800, v2  }
0x40: {  	s31 =	sand.u32 $0x1000, s16;
	s17 =	sadd.s32 $0x10, s15;
	s15 =	sor.u32 $0x2000, s14;
	v2 =	vand.u32 $0x380, v1;
	v0 =	vor.u32 v7, v0;
	v5 =	vand.u32 $0xFFFFFC00, v5  }
0x41: {  	s14 =	sor.u32 $0x2000, s31;
	s16 =	smov.u32 s15;
	v1 =	vld.msk [tilespmem:s17+$0x0 ss:$0x1], $0xffff;
	v3 =	vand.u32 $0x7F, v3;
	(ifvalue) =	ssetifvalue $0x7FFFFFFF;
	v6 =	vshrl.u32 v4, $0x7;
	v5 =	vadd.s32 v8, v5  }
.LBB2_3:
0x42: {  	s18 =	sadd.s32 $0x10, s18  }
0x43: {  	vm1 =	veq.s32 v4, $0x80000000;
	v4 =	vand.u32 $0x7F, v4;
	v6 =	vand.u32 $0x1FFFF, v6;
	s15 =	sadd.s32 $0x10, s15;
	p1 =	slt.u32 s18, $0xFF0  }
.Ltmp3:
0x44: {  	v5 =	vor.u32 v2, v5;
	v4 =	vsel vm1, $0xFFFFFFFF, v4;
	v7 =	vsel vm1, $0xFFFFFFFF, v6;
	(pc) =	sbr.rel @p1 .LBB2_3-.Ltmp3, $4  }
0x45: {  	v2 =	vshrl.u32 v4, $0x3;
	v6 =	vshll.u32 v7, $0x3;
	v4 =	vshll.u32 v4, $0x7;
	[tilespmem:s16], [sflag:$0x1] =	stream.indirect_vreg.gather [hbm4b:s4+s10], $0x1, v0, vm0, $0x4038;
	[tilespmem:$0x4000] =	vst v63  }
0x46: {  	v0 =	vor.u32 v3, v5;
	s16 =	smov.u32 s15;
	v8 =	vmul.u32 $0xC3800, v2;
	v2 =	vand.u32 $0x380, v4  }
0x47: {  	s17 =	sadd.s32 $0x10, s17;
	v9 =	vand.u32 $0xFFFFFC00, v6  }
0x48: {  	v3 =	vand.u32 $0x7F, v7;
	v6 =	vshrl.u32 v1, $0x7;
	v5 =	vadd.s32 v8, v9;
	(ifvalue) =	ssetifvalue $0x7FFFFFFF;
	v4 =	vmovc v1;
	v1 =	vld.msk [tilespmem:s17+$0x0 ss:$0x1], $0xffff  }
.Ltmp4:
0x49: {  	_ = 	snop;
	(pc) =	sbr.rel .LBB2_4-.Ltmp4, $1  }
0x4a: {  	_ =	sdelay $0x3  }
.LBB2_6:
0x4b: {  	_ =	sfence.sel $0x180000  }
0x4c: {  	s2 =	simm.s32 $0x2;
	[bflag:$0x0] =	sbarrier.arrive $0xFFFF  }
0x4d: {  	s30 =	simm.s32 $0x3;
	[sflag:s2] =	ssyncpa.u1 $0x1  }
0x4e: {  	s31 =	simm.s32 $0x1;
	[sflag:s30] =	ssyncpa.u1 $0x1  }
0x4f: {  	[sflag:s31] =	ssyncpa.u1 $0x1  }
0x50: {  	p0 =	sne.s32 s1, $0x0;
	_ =	strace $0x9000004D  }
0x51: {  	s0 =	sadd.s32 @!p0 $0x100000, s0;
	[bflag:$0x2] =	sbarrier.arrive $0xFFFF  }
0x52: {  	[sflag:s0] =	ssyncadd.tile.s32 @!p0 $0x1;
	_ =	shalt  }
.Lfunc_end2:
_tile_overlayer_lowered:
.L_overlay_start_2:
0x53: {  	(tag) =	ssettag $0x2  }
0x54: {  	s0 =	rddreg [dreg:$0x0];
	s2 =	stileid.u32  }
0x55: {  	s1 =	rddreg [dreg:$0x1];
	p0 =	sne.s32 s2, $0x0  }
0x56: {  	s3 =	rddreg [dreg:$0x2];
	[bflag:$0x3] =	sbarrier.arrive $0xFFFF;
	s2 =	simm.s32 @!p0 $0x1C01  }
0x57: {  	[timem:s3], [sflag:s2] =	dma.local @!p0 [hbm:s0], s1  }
0x58: {  	s0 =	simm.s32 @!p0 $0x1  }
0x59: {  	_ =	swait.ge @!p0 [sflag:s0], s1  }
0x5a: {  	s1 =	ssub.s32 @!p0 $0x0, s1;
	[sflag:s0] =	ssyncset.done @!p0 $0x0  }
0x5b: {  	[sflag:s0] =	ssyncadd.s32 @!p0 s1  }
0x5c: {  	[bflag:$0x3] =	sbarrier.arrive $0xFFFF  }
0x5d: {  	_ =	shalt  }

// kernel: gather_offload_async_start.3
scs
__scs_entry_jumppad:
0x0: {  	(pc) =	sbr.rel $0x88, $3  }
0x1: {  	(tag) =	ssettag $0x0;
	lr =	simm.s32 $0x1  }
0x2: {  	[smem:$0x3F9A] =	sst lr;
	_ =	strace $0xD0000000  }
0x3: {  	_ = 	snop  }
0x4: {  	_ = 	snop  }
0x5: {  	_ = 	snop  }
0x6: {  	_ = 	snop  }
0x7: {  	_ = 	snop  }
__scs_overlays_trampoline_lowered:
0x8: {  	[smem:$0x3FA9] =	sst s0  }
0x9: {  	[smem:$0x3FAA] =	sst s1  }
0xa: {  	[smem:$0x3FAB] =	sst s2  }
0xb: {  	[smem:$0x3FAC] =	sst s3  }
0xc: {  	[smem:$0x3FAD] =	sst s4  }
0xd: {  	[smem:$0x3FAE] =	sst s5  }
0xe: {  	[smem:$0x3FAF] =	sst s6  }
0xf: {  	[smem:$0x3FB0] =	sst s7  }
0x10: {  	[smem:$0x3FB1] =	sst s8  }
0x11: {  	[smem:$0x3FB2] =	sst s9;
	s0 =	simm.s32 @!p0 $0x0  }
0x12: {  	s1 =	sld [smem:$0x3F98];
	s0 =	simm.s32 @p0 $0x1  }
0x13: {  	[smem:$0x3FB3] =	sst s0;
	s0 =	simm.s32 @!p1 $0x0  }
0x14: {  	s2 =	sld [smem:$0x3F97];
	s0 =	simm.s32 @p1 $0x1  }
0x15: {  	[smem:$0x3FB4] =	sst s0;
	s0 =	simm.s32 @!p2 $0x0  }
0x16: {  	s3 =	sld [smem:$0x3FDB];
	s0 =	simm.s32 @p2 $0x1  }
0x17: {  	s4 =	simm.s32 $0x1BF5;
	[smem:$0x3FB6] =	sst s0  }
0x18: {  	s0 =	sld [smem:$0x3F99];
	_ =	swait.ge [sflag:s4], $0x0  }
0x19: {  	s7 =	sld [smem:$0x3F9A]  }
0x1a: {  	s8 =	sadd.s32 $0xFFFFE003, lr  }
0x1b: {  	s9 =	sadd.s32 $0xFFFFFEF7, lr;
	s5 =	simm.s32 $0xFFFFFFFF;
	p2 =	slt.u32 s8, $0xFFFFF086  }
0x1c: {  	p1 =	slt.u32 s9, $0xF7A;
	s5 =	simm.s32 @!p2 $0x0  }
0x1d: {  	s5 =	simm.s32 @p1 $0x1;
	p0 =	seq.s32 s7, s2  }
0x1e: {  	s7 =	smul.u32 @!p0 $0xF7A, s2;
	p2 =	seq.s32 @!p0 s5, $0x0  }
0x1f: {  	s9 =	smul.u32 $0xF7A, s1;
	s8 =	simm.s32 @!p0 $0x1BF5;
	p2 =	por !p2, p0  }
0x20: {  	[sflag:s8] =	ssyncset.s32 @!p0 $0xFFFFF086;
	s6 =	sadd.s32 @!p0 s3, s7;
	s7 =	simm.s32 @!p0 $0x108  }
0x21: {  	s3 =	sadd.s32 s3, s9;
	s6 =	sadd.s32 @!p0 $0x88, s6;
	s7 =	simm.s32 @p2 $0x1082  }
0x22: {  	[simem:s7], [sflag:s8] =	dma.local @!p0 [hbm:s6], $0xF7A  }
0x23: {  	s9 =	sor.u32 $0xD0000000, s2;
	s6 =	simm.s32 $0x108;
	_ =	swait.ge @!p0 [sflag:s8], $0x0  }
0x24: {  	s3 =	sadd.s32 $0x88, s3;
	s6 =	simm.s32 @!p1 $0x1082;
	[sflag:s4] =	ssyncset.s32 $0xFFFFF086  }
0x25: {  	[simem:s6], [sflag:s4] =	dma.local [hbm:s3], $0xF7A  }
0x26: {  	[smem:$0x3F9A] =	sst s1;
	(tag) =	ssettag s2;
	_ =	strace s9  }
0x27: {  	s1 =	sld [smem:$0x3FAA]  }
0x28: {  	s2 =	sld [smem:$0x3FAB]  }
0x29: {  	s4 =	sld [smem:$0x3FAD]  }
0x2a: {  	p0 =	seq.s32 s5, $0x0;
	s5 =	sld [smem:$0x3FAE]  }
0x2b: {  	s6 =	sld [smem:$0x3FAF]  }
0x2c: {  	s7 =	sld [smem:$0x3FB0]  }
0x2d: {  	s3 =	simm.s32 $0x108;
	s8 =	sld [smem:$0x3FB1]  }
0x2e: {  	s3 =	simm.s32 @!p0 $0x1082;
	s9 =	sld [smem:$0x3FB2]  }
0x2f: {  	lr =	sadd.s32 s0, s3;
	s0 =	sld [smem:$0x3FA9]  }
0x30: {  	s3 =	sld [smem:$0x3FAC]  }
0x31: {  	[smem:$0x3FB5] =	sst s10  }
0x32: {  	s10 =	sld [smem:$0x3FB3];
	_ =	sdelay $0x3  }
0x33: {  	p0 =	seq.s32 s10, $0x1;
	s10 =	sld [smem:$0x3FB5];
	_ =	sdelay $0x3  }
0x34: {  	[smem:$0x3FB5] =	sst s10  }
0x35: {  	s10 =	sld [smem:$0x3FB4];
	_ =	sdelay $0x3  }
0x36: {  	p1 =	seq.s32 s10, $0x1;
	s10 =	sld [smem:$0x3FB5];
	_ =	sdelay $0x3  }
0x37: {  	[smem:$0x3FB5] =	sst s10  }
0x38: {  	s10 =	sld [smem:$0x3FB6]  }
0x39: {  	_ = 	snop;
	(pc) =	sbr.ind lr, $3  }
0x3a: {  	_ = 	snop  }
0x3b: {  	_ = 	snop  }
0x3c: {  	p2 =	seq.s32 s10, $0x1;
	s10 =	sld [smem:$0x3FB5]  }
0x3d: {  	_ =	shalt  }
0x3e: {  	_ =	shalt  }
0x3f: {  	_ =	shalt  }
0x40: {  	_ =	shalt  }
0x41: {  	_ =	shalt  }
0x42: {  	_ =	shalt  }
0x43: {  	_ =	shalt  }
0x44: {  	_ =	shalt  }
0x45: {  	_ =	shalt  }
0x46: {  	_ =	shalt  }
0x47: {  	_ =	shalt  }
0x48: {  	_ =	shalt  }
0x49: {  	_ =	shalt  }
0x4a: {  	_ =	shalt  }
0x4b: {  	_ =	shalt  }
0x4c: {  	_ =	shalt  }
0x4d: {  	_ =	shalt  }
0x4e: {  	_ =	shalt  }
0x4f: {  	_ =	shalt  }
0x50: {  	_ =	shalt  }
0x51: {  	_ =	shalt  }
0x52: {  	_ =	shalt  }
0x53: {  	_ =	shalt  }
0x54: {  	_ =	shalt  }
0x55: {  	_ =	shalt  }
0x56: {  	_ =	shalt  }
0x57: {  	_ =	shalt  }
0x58: {  	_ =	shalt  }
0x59: {  	_ =	shalt  }
0x5a: {  	_ =	shalt  }
0x5b: {  	_ =	shalt  }
0x5c: {  	_ =	shalt  }
0x5d: {  	_ =	shalt  }
0x5e: {  	_ =	shalt  }
0x5f: {  	_ =	shalt  }
0x60: {  	_ =	shalt  }
0x61: {  	_ =	shalt  }
0x62: {  	_ =	shalt  }
0x63: {  	_ =	shalt  }
0x64: {  	_ =	shalt  }
0x65: {  	_ =	shalt  }
0x66: {  	_ =	shalt  }
0x67: {  	_ =	shalt  }
0x68: {  	_ =	shalt  }
0x69: {  	_ =	shalt  }
0x6a: {  	_ =	shalt  }
0x6b: {  	_ =	shalt  }
0x6c: {  	_ =	shalt  }
0x6d: {  	_ =	shalt  }
0x6e: {  	_ =	shalt  }
0x6f: {  	_ =	shalt  }
0x70: {  	_ =	shalt  }
0x71: {  	_ =	shalt  }
0x72: {  	_ =	shalt  }
0x73: {  	_ =	shalt  }
0x74: {  	_ =	shalt  }
0x75: {  	_ =	shalt  }
0x76: {  	_ =	shalt  }
0x77: {  	_ =	shalt  }
0x78: {  	_ =	shalt  }
0x79: {  	_ =	shalt  }
0x7a: {  	_ =	shalt  }
0x7b: {  	_ =	shalt  }
0x7c: {  	_ =	shalt  }
0x7d: {  	_ =	shalt  }
0x7e: {  	_ =	shalt  }
0x7f: {  	_ =	shalt  }
0x80: {  	_ =	shalt  }
0x81: {  	_ =	shalt  }
0x82: {  	_ =	shalt  }
0x83: {  	_ =	shalt  }
0x84: {  	_ =	shalt  }
0x85: {  	_ =	shalt  }
0x86: {  	_ =	shalt  }
0x87: {  	_ =	shalt  }
.Lfunc_end0:
.L_simem_size_0:
called_computation.3_lowered:
.L_overlay_start_0:
0x88: {  	s2 =	sld [smem:$0x3FD9]  }
0x89: {  	s3 =	sld [smem:$0x3FFE];
	_ =	sdelay $0x1  }
0x8a: {  	s1 =	srdreg.scid  }
0x8b: {  	s0 =	sand.u32 $0x1, s1  }
0x8c: {  	s16 =	sshll.u32 s0, $0xA;
	s2 =	sadd.s32 s3, s2  }
0x8d: {  	s2 =	sadd.s32 s2, s16  }
0x8e: {  	[smem:$0x3FC1] =	sst s2  }
0x8f: {  	_ = 	snop  }
0x90: {  	(tm) =	ssettm $0x1  }
0x91: {  	s17 =	sld [smem:$0x3FFB];
	_ =	sdelay $0x3  }
0x92: {  	_ =	strace s17  }
0x93: {  	s2 =	sld [smem:$0x3FFC];
	_ =	sdelay $0x3  }
0x94: {  	_ =	strace s2  }
0x95: {  	s2 =	sld [smem:$0x3FFD];
	_ =	sdelay $0x3  }
0x96: {  	_ =	strace s2  }
0x97: {  	_ =	strace $0x8FFFFFFF  }
0x98: {  	s18 =	sld [smem:$0x3FDB];
	_ =	sdelay $0x1  }
0x99: {  	s19 =	simm.s32 $_scs_section_size  }
0x9a: {  	s4 =	simm.s32 $_size__tile_overlayer_lowered;
	s5 =	simm.s32 $_tile_overlayer_lowered  }
0x9b: {  	s22 =	simm.s32 $0x1BFF;
	s21 =	sshll.u32 s5, $0x1;
	s2 =	sadd.s32 s19, s18  }
0x9c: {  	s6 =	simm.s32 $0x0;
	s20 =	sshll.u32 s4, $0x1;
	s4 =	sadd.s32 s21, s2  }
0x9d: {  	[timem:s6], [sflag:s22] =	dma.local [hbm:s4], s20  }
0x9e: {  	_ =	swait.ge [sflag:s22], s20  }
0x9f: {  	s3 =	ssub.s32 $0x0, s20;
	[sflag:s22] =	ssyncset.done $0x0  }
0xa0: {  	[sflag:s22] =	ssyncadd.s32 s3;
	_ =	sdelay $0x1  }
0xa1: {  	s23 =	simm.s32 $0x1B8B  }
0xa2: {  	_ =	swait.ge [sflag:s23], $0x1  }
0xa3: {  	[sflag:s23] =	ssyncset.done $0x0  }
0xa4: {  	s25 =	simm.s32 $0x1B8E;
	s24 =	sld [smem:$0x3FFE];
	[sflag:s23] =	ssyncadd.s32 $0xFFFFFFFF  }
0xa5: {  	s26 =	simm.s32 $execute0_lowered;
	[smem:$0x3FD2] =	sst s25  }
0xa6: {  	s4 =	sshll.u32 s26, $0x1;
	_ =	strace $0x8000004F;
	[dreg:$0x1] =	wrdreg $0xFFFFFFFF  }
0xa7: {  	s28 =	simm.s32 $_size_execute0_lowered;
	s2 =	sadd.s32 s2, s4;
	[dreg:$0x0] =	wrdreg $0x0  }
0xa8: {  	s4 =	sshll.u32 s28, $0x1;
	[dreg:$0x2] =	wrdreg s2  }
0xa9: {  	[dreg:$0x3] =	wrdreg s4  }
0xaa: {  	[dreg:$0x4] =	wrdreg $0xC0  }
0xab: {  	_ =	task [dreg:s6], $0x5FFFF  }
0xac: {  	[dreg:$0x1] =	wrdreg $0xFFFFFFFF  }
0xad: {  	[dreg:$0x0] =	wrdreg $0x60  }
0xae: {  	[dreg:$0x2] =	wrdreg s24  }
0xaf: {  	[dreg:$0x3] =	wrdreg $0x9  }
0xb0: {  	_ =	task.clear_ibuf [dreg:s6], $0x4FFFF;
	_ =	strace $0x9000004F  }
0xb1: {  	s29 =	simm.s32 $0x9;
	_ =	strace $0x80000051  }
0xb2: {  	_ =	swait.ge [sflag:s29], $0x1  }
0xb3: {  	[sflag:s29] =	ssyncadd.s32 $0xFFFFFFFF  }
0xb4: {  	_ =	strace $0x90000051  }
0xb5: {  	_ =	sfence  }
0xb6: {  	s30 =	sld [smem:$0x0];
	_ =	sdelay $0x2  }
0xb7: {  	s31 =	sshll.u32 s1, $0xD;
	s1 =	sshrl.u32 s1, $0x2  }
0xb8: {  	s3 =	sand.u32 $0x4000, s31;
	s1 =	sadd.s32 s1, s30  }
0xb9: {  	s0 =	sor.u32 s3, s0;
	s1 =	sshll.u32 s1, $0x11  }
0xba: {  	s0 =	sor.u32 s1, s0  }
0xbb: {  	s0 =	sadd.s32 $0x8F2B, s0  }
0xbc: {  	[sflag:s0] =	ssyncadd.remote.s32 $0x1  }
0xbd: {  	_ =	sfence.sel $0xFFFF  }
0xbe: {  	[dreg:$0x0] =	wrdreg $0xFFFFFFFF;
	(pc) =	sbr.abs _section_cstart, $3  }
0xbf: {  	[dreg:$0x1] =	wrdreg $0xFFFFFFFF  }
0xc0: {  	_ =	task.clear_ibuf [dreg:s6], $0x2FFFF;
	_ =	strace $0x9FFFFFFF  }
0xc1: {  	(tm) =	ssettm $0x7FFFFFFF  }
tec
execute0_lowered:
.L_overlay_start_1:
0x0: {  	(tag) =	ssettag $0x1  }
0x1: {  	s0 =	srdreg.scid;
	s5 =	rddreg [dreg:$0x0]  }
0x2: {  	s1 =	stileid.u32;
	s6 =	simm.s32 $0x1;
	s9 =	simm.s32 $0x1  }
0x3: {  	s10 =	simm.s32 $0x3;
	s13 =	simm.s32 $0x0;
	s2 =	sshll.u32 s0, $0x8  }
0x4: {  	s12 =	simm.s32 $0x0;
	s3 =	sshll.u32 s1, $0x9;
	s2 =	sand.u32 $0x100, s2  }
0x5: {  	s0 =	rddreg [dreg:$0x1];
	_ =	strace $0x80000050;
	s2 =	sor.u32 s3, s2  }
0x6: {  	s4 =	sadd.s32 $0x1EA00, s5;
	[sflag:s6] =	ssyncpa.u1 $0x0;
	s8 =	ssub.s32 $0x3000, s2  }
.Ltmp0:
0x7: {  	s3 =	sadd.s32 $0x18A00, s5;
	s7 =	sand.u32 $0x1F00, s8;
	(pc) =	sbr.rel .LBB2_1-.Ltmp0, $4  }
0x8: {  	s5 =	sadd.s32 $0x1F000, s5;
	s11 =	smov.u32 s2;
	p0 =	sne.s32 s7, $0x0  }
0x9: {  	s8 =	sshrl.u32 s8, $0xD;
	s7 =	simm.s32 $0x2;
	s9 =	simm.s32 @!p0 $0x0  }
0xa: {  	[sflag:s7] =	ssyncpa.u1 $0x0;
	p0 =	por $0x0, $0x0;
	s8 =	sadd.s32 s9, s8  }
0xb: {  	vm0 =	vmmov $0xffff;
	[sflag:s10] =	ssyncpa.u1 $0x0;
	s10 =	simm.s32 $0x0;
	s9 =	sadd.s32 $0x1, s8  }
.LBB2_4:
0xc: {  	vm1 =	veq.s32 v4, $0x80000000;
	v56 =	vand.u32 $0x7F, v4;
	v6 =	vand.u32 $0x7FF, v6  }
0xd: {  	v2 =	vor.u32 v2, v5;
	v59 =	vshrl.u32 v1, $0x7;
	v60 =	vand.u32 $0x7F, v1  }
0xe: {  	v4 =	vsel vm1, $0xFFFFFFFF, v56;
	v6 =	vsel vm1, $0xFFFFFFFF, v6;
	v2 =	vor.u32 v3, v2  }
0xf: {  	vm1 =	veq.s32 v1, $0x80000000;
	v5 =	vand.u32 $0x7FF, v59;
	v7 =	vshrl.u32 v4, $0x3  }
0x10: {  	v57 =	vshll.u32 v6, $0x3;
	v4 =	vshll.u32 v4, $0x7;
	v1 =	vsel vm1, $0xFFFFFFFF, v60  }
0x11: {  	v5 =	vsel vm1, $0xFFFFFFFF, v5;
	v6 =	vand.u32 $0x7F, v6;
	v7 =	vmul.u32 $0x3000, v7  }
0x12: {  	v58 =	vand.u32 $0xFFFFFC00, v57;
	v4 =	vand.u32 $0x380, v4;
	v61 =	vshrl.u32 v1, $0x3  }
0x13: {  	v62 =	vshll.u32 v5, $0x3;
	v3 =	vadd.s32 v7, v58;
	v7 =	vmul.u32 $0x3000, v61  }
0x14: {  	v1 =	vshll.u32 v1, $0x7;
	v3 =	vor.u32 v4, v3;
	v4 =	vand.u32 $0xFFFFFC00, v62  }
0x15: {  	v1 =	vand.u32 $0x380, v1;
	v3 =	vor.u32 v6, v3;
	v4 =	vadd.s32 v7, v4  }
0x16: {  	[tilespmem:s16], [sflag:$0x1] =	stream.indirect_vreg.gather [hbm4b:s3+s10], $0x1, v0, vm0, $0x4038;
	v63 =	vand.u32 $0x7F, v5;
	v1 =	vor.u32 v1, v4;
	[tilespmem:$0x400] =	vst v63  }
0x17: {  	s15 =	sadd.s32 $0x10, s15;
	(ifvalue) =	ssetifvalue $0x7FFFFFFF;
	v0 =	vor.u32 v63, v1  }
0x18: {  	[tilespmem:s15], [sflag:$0x1] =	stream.indirect_vreg.gather [hbm4b:s3+s10], $0x1, v2, vm0, $0x4038;
	[tilespmem:$0x400] =	vst v63  }
0x19: {  	s15 =	sadd.s32 $0x10, s15;
	(ifvalue) =	ssetifvalue $0x7FFFFFFF  }
0x1a: {  	[tilespmem:s15], [sflag:$0x1] =	stream.indirect_vreg.gather [hbm4b:s3+s10], $0x1, v3, vm0, $0x4038;
	[tilespmem:$0x400] =	vst v63  }
0x1b: {  	s15 =	sadd.s32 $0x10, s15;
	(ifvalue) =	ssetifvalue $0x7FFFFFFF  }
0x1c: {  	[tilespmem:s15], [sflag:$0x1] =	stream.indirect_vreg.gather [hbm4b:s3+s10], $0x1, v0, vm0, $0x4038;
	[tilespmem:$0x400] =	vst v63  }
0x1d: {  	_ =	swait.ge [sflag:s6], $0x100  }
0x1e: {  	s30 =	sshrl.u32 s13, $0x3;
	[sflag:s6] =	ssyncset.done $0x0  }
0x1f: {  	s31 =	sand.u32 $0x7, s13;
	s15 =	sadd.s32 s5, s30;
	[sflag:s6] =	ssyncadd.s32 $0xFFFFFF00  }
0x20: {  	[hbm4b:s15+s31] =	stream.linear.scatter [tilespmem:s14], [sflag:$0x3], $0x100, $0x38;
	[tilespmem:$0x400] =	vst v63  }
.LBB2_5:
0x21: {  	s15 =	sadd.s32 $0x2000, s11  }
0x22: {  	p2 =	sgt.s32 s15, $0x2FFF  }
0x23: {  	s15 =	smov.u32 @p2 s2;
	p2 =	sne.s32 s12, s9  }
.Ltmp1:
0x24: {  	p1 =	slt.u32 s12, $0x2;
	(pc) =	sbr.rel @!p2 .LBB2_6-.Ltmp1, $4  }
0x25: {  	s14 =	simm.s32 @!p1 $0x3  }
0x26: {  	s16 =	sadd.s32 $0x1, s12;
	_ =	swait.ge @!p1 [sflag:s14], $0x100  }
0x27: {  	s13 =	smov.u32 s11;
	p0 =	por !p0, !p0;
	[sflag:s14] =	ssyncset.done @!p1 $0x0  }
0x28: {  	s12 =	smov.u32 s16;
	s11 =	smov.u32 s15;
	[sflag:s14] =	ssyncadd.s32 @!p1 $0xFFFFFF00  }
.LBB2_1:
0x29: {  	p1 =	sge.u32 s12, s8  }
0x2a: {  	s14 =	sxor.u32 @!p1 $0xFFFFFFFF, s12  }
0x2b: {  	s31 =	sadd.s32 $0xFFFFFFFF, s12;
	s15 =	sshrl.u32 @!p1 s11, $0x3;
	s14 =	sshll.u32 @!p1 s14, $0x8  }
0x2c: {  	s16 =	sand.u32 @!p1 $0x7, s11;
	s15 =	sadd.s32 @!p1 s4, s15;
	s14 =	sand.u32 @!p1 $0x100, s14  }
0x2d: {  	[tilespmem:s14], [sflag:$0x2] =	stream.linear.gather @!p1 [hbm4b:s15+s16], $0x100, $0x38;
	[tilespmem:$0x400] =	vst v63  }
0x2e: {  	p1 =	sge.u32 s31, s8  }
.Ltmp2:
0x2f: {  	_ = 	snop;
	(pc) =	sbr.rel @p1 .LBB2_5-.Ltmp2, $1  }
0x30: {  	_ =	sdelay $0x3  }
0x31: {  	s14 =	simm.s32 $0x1  }
0x32: {  	_ =	swait.ge [sflag:s7], $0x100;
	s14 =	simm.s32 @!p0 $0x0  }
0x33: {  	[sflag:s7] =	ssyncset.done $0x0;
	s14 =	sshll.u32 s14, $0x8  }
0x34: {  	[sflag:s7] =	ssyncadd.s32 $0xFFFFFF00;
	(ifvalue) =	ssetifvalue $0x7FFFFFFF;
	v0 =	vld.msk [tilespmem:s14+$0x0 ss:$0x1], $0xffff  }
0x35: {  	s15 =	sadd.s32 $0x10, s14  }
0x36: {  	v1 =	vld.msk [tilespmem:s15+$0x0 ss:$0x1], $0xffff;
	_ =	sdelay $0x2  }
0x37: {  	v2 =	vshrl.u32 v0, $0x7  }
0x38: {  	vm1 =	veq.s32 v0, $0x80000000;
	v0 =	vand.u32 $0x7F, v0;
	v2 =	vand.u32 $0x7FF, v2  }
0x39: {  	v0 =	vsel vm1, $0xFFFFFFFF, v0;
	v6 =	vshrl.u32 v1, $0x7;
	v2 =	vsel vm1, $0xFFFFFFFF, v2  }
0x3a: {  	v3 =	vshrl.u32 v0, $0x3;
	v0 =	vshll.u32 v0, $0x7;
	vm1 =	veq.s32 v1, $0x80000000  }
0x3b: {  	s15 =	sadd.s32 $0x10, s15;
	v1 =	vand.u32 $0x7F, v1;
	v4 =	vshll.u32 v2, $0x3;
	v3 =	vmul.u32 $0x3000, v3  }
0x3c: {  	v0 =	vand.u32 $0x380, v0;
	v7 =	vand.u32 $0x7F, v2;
	v5 =	vand.u32 $0xFFFFFC00, v4;
	v4 =	vld.msk [tilespmem:s15+$0x0 ss:$0x1], $0xffff  }
0x3d: {  	v1 =	vsel vm1, $0xFFFFFFFF, v1;
	v2 =	vadd.s32 v3, v5;
	v3 =	vand.u32 $0x7FF, v6  }
0x3e: {  	v3 =	vsel vm1, $0xFFFFFFFF, v3;
	v0 =	vor.u32 v0, v2;
	v2 =	vshrl.u32 v1, $0x3  }
0x3f: {  	s16 =	sshll.u32 s12, $0x8;
	s18 =	simm.s32 $0x30;
	v1 =	vshll.u32 v1, $0x7;
	v5 =	vshll.u32 v3, $0x3;
	v8 =	vmul.u32 $0x3000, v2  }
0x40: {  	s31 =	sand.u32 $0x100, s16;
	s17 =	sadd.s32 $0x10, s15;
	s15 =	sor.u32 $0x200, s14;
	v2 =	vand.u32 $0x380, v1;
	v0 =	vor.u32 v7, v0;
	v5 =	vand.u32 $0xFFFFFC00, v5  }
0x41: {  	s14 =	sor.u32 $0x200, s31;
	s16 =	smov.u32 s15;
	v1 =	vld.msk [tilespmem:s17+$0x0 ss:$0x1], $0xffff;
	v3 =	vand.u32 $0x7F, v3;
	(ifvalue) =	ssetifvalue $0x7FFFFFFF;
	v6 =	vshrl.u32 v4, $0x7;
	v5 =	vadd.s32 v8, v5  }
.LBB2_3:
0x42: {  	s18 =	sadd.s32 $0x10, s18  }
0x43: {  	vm1 =	veq.s32 v4, $0x80000000;
	v4 =	vand.u32 $0x7F, v4;
	v6 =	vand.u32 $0x7FF, v6;
	s15 =	sadd.s32 $0x10, s15;
	p1 =	slt.u32 s18, $0xF0  }
.Ltmp3:
0x44: {  	v5 =	vor.u32 v2, v5;
	v4 =	vsel vm1, $0xFFFFFFFF, v4;
	v7 =	vsel vm1, $0xFFFFFFFF, v6;
	(pc) =	sbr.rel @p1 .LBB2_3-.Ltmp3, $4  }
0x45: {  	v2 =	vshrl.u32 v4, $0x3;
	v6 =	vshll.u32 v7, $0x3;
	v4 =	vshll.u32 v4, $0x7;
	[tilespmem:s16], [sflag:$0x1] =	stream.indirect_vreg.gather [hbm4b:s3+s10], $0x1, v0, vm0, $0x4038;
	[tilespmem:$0x400] =	vst v63  }
0x46: {  	v0 =	vor.u32 v3, v5;
	s16 =	smov.u32 s15;
	v8 =	vmul.u32 $0x3000, v2;
	v2 =	vand.u32 $0x380, v4  }
0x47: {  	s17 =	sadd.s32 $0x10, s17;
	v9 =	vand.u32 $0xFFFFFC00, v6  }
0x48: {  	v3 =	vand.u32 $0x7F, v7;
	v6 =	vshrl.u32 v1, $0x7;
	v5 =	vadd.s32 v8, v9;
	(ifvalue) =	ssetifvalue $0x7FFFFFFF;
	v4 =	vmovc v1;
	v1 =	vld.msk [tilespmem:s17+$0x0 ss:$0x1], $0xffff  }
.Ltmp4:
0x49: {  	_ = 	snop;
	(pc) =	sbr.rel .LBB2_4-.Ltmp4, $1  }
0x4a: {  	_ =	sdelay $0x3  }
.LBB2_6:
0x4b: {  	_ =	sfence.sel $0x180000  }
0x4c: {  	s2 =	simm.s32 $0x2;
	[bflag:$0x0] =	sbarrier.arrive $0xFFFF  }
0x4d: {  	s30 =	simm.s32 $0x3;
	[sflag:s2] =	ssyncpa.u1 $0x1  }
0x4e: {  	s31 =	simm.s32 $0x1;
	[sflag:s30] =	ssyncpa.u1 $0x1  }
0x4f: {  	[sflag:s31] =	ssyncpa.u1 $0x1  }
0x50: {  	p0 =	sne.s32 s1, $0x0;
	_ =	strace $0x90000050  }
0x51: {  	s0 =	sadd.s32 @!p0 $0x100000, s0;
	[bflag:$0x2] =	sbarrier.arrive $0xFFFF  }
0x52: {  	[sflag:s0] =	ssyncadd.tile.s32 @!p0 $0x1;
	_ =	shalt  }
.Lfunc_end2:
_tile_overlayer_lowered:
.L_overlay_start_2:
0x53: {  	(tag) =	ssettag $0x2  }
0x54: {  	s0 =	rddreg [dreg:$0x0];
	s2 =	stileid.u32  }
0x55: {  	s1 =	rddreg [dreg:$0x1];
	p0 =	sne.s32 s2, $0x0  }
0x56: {  	s3 =	rddreg [dreg:$0x2];
	[bflag:$0x3] =	sbarrier.arrive $0xFFFF;
	s2 =	simm.s32 @!p0 $0x1C01  }
0x57: {  	[timem:s3], [sflag:s2] =	dma.local @!p0 [hbm:s0], s1  }
0x58: {  	s0 =	simm.s32 @!p0 $0x1  }
0x59: {  	_ =	swait.ge @!p0 [sflag:s0], s1  }
0x5a: {  	s1 =	ssub.s32 @!p0 $0x0, s1;
	[sflag:s0] =	ssyncset.done @!p0 $0x0  }
0x5b: {  	[sflag:s0] =	ssyncadd.s32 @!p0 s1  }
0x5c: {  	[bflag:$0x3] =	sbarrier.arrive $0xFFFF  }
0x5d: {  	_ =	shalt  }

// kernel: gather_offload_async_start.4
scs
__scs_entry_jumppad:
0x0: {  	(pc) =	sbr.rel $0x88, $3  }
0x1: {  	(tag) =	ssettag $0x0;
	lr =	simm.s32 $0x1  }
0x2: {  	[smem:$0x3F9A] =	sst lr;
	_ =	strace $0xD0000000  }
0x3: {  	_ = 	snop  }
0x4: {  	_ = 	snop  }
0x5: {  	_ = 	snop  }
0x6: {  	_ = 	snop  }
0x7: {  	_ = 	snop  }
__scs_overlays_trampoline_lowered:
0x8: {  	[smem:$0x3FA9] =	sst s0  }
0x9: {  	[smem:$0x3FAA] =	sst s1  }
0xa: {  	[smem:$0x3FAB] =	sst s2  }
0xb: {  	[smem:$0x3FAC] =	sst s3  }
0xc: {  	[smem:$0x3FAD] =	sst s4  }
0xd: {  	[smem:$0x3FAE] =	sst s5  }
0xe: {  	[smem:$0x3FAF] =	sst s6  }
0xf: {  	[smem:$0x3FB0] =	sst s7  }
0x10: {  	[smem:$0x3FB1] =	sst s8  }
0x11: {  	[smem:$0x3FB2] =	sst s9;
	s0 =	simm.s32 @!p0 $0x0  }
0x12: {  	s1 =	sld [smem:$0x3F98];
	s0 =	simm.s32 @p0 $0x1  }
0x13: {  	[smem:$0x3FB3] =	sst s0;
	s0 =	simm.s32 @!p1 $0x0  }
0x14: {  	s2 =	sld [smem:$0x3F97];
	s0 =	simm.s32 @p1 $0x1  }
0x15: {  	[smem:$0x3FB4] =	sst s0;
	s0 =	simm.s32 @!p2 $0x0  }
0x16: {  	s3 =	sld [smem:$0x3FDB];
	s0 =	simm.s32 @p2 $0x1  }
0x17: {  	s4 =	simm.s32 $0x1BF5;
	[smem:$0x3FB6] =	sst s0  }
0x18: {  	s0 =	sld [smem:$0x3F99];
	_ =	swait.ge [sflag:s4], $0x0  }
0x19: {  	s7 =	sld [smem:$0x3F9A]  }
0x1a: {  	s8 =	sadd.s32 $0xFFFFE003, lr  }
0x1b: {  	s9 =	sadd.s32 $0xFFFFFEF7, lr;
	s5 =	simm.s32 $0xFFFFFFFF;
	p2 =	slt.u32 s8, $0xFFFFF086  }
0x1c: {  	p1 =	slt.u32 s9, $0xF7A;
	s5 =	simm.s32 @!p2 $0x0  }
0x1d: {  	s5 =	simm.s32 @p1 $0x1;
	p0 =	seq.s32 s7, s2  }
0x1e: {  	s7 =	smul.u32 @!p0 $0xF7A, s2;
	p2 =	seq.s32 @!p0 s5, $0x0  }
0x1f: {  	s9 =	smul.u32 $0xF7A, s1;
	s8 =	simm.s32 @!p0 $0x1BF5;
	p2 =	por !p2, p0  }
0x20: {  	[sflag:s8] =	ssyncset.s32 @!p0 $0xFFFFF086;
	s6 =	sadd.s32 @!p0 s3, s7;
	s7 =	simm.s32 @!p0 $0x108  }
0x21: {  	s3 =	sadd.s32 s3, s9;
	s6 =	sadd.s32 @!p0 $0x88, s6;
	s7 =	simm.s32 @p2 $0x1082  }
0x22: {  	[simem:s7], [sflag:s8] =	dma.local @!p0 [hbm:s6], $0xF7A  }
0x23: {  	s9 =	sor.u32 $0xD0000000, s2;
	s6 =	simm.s32 $0x108;
	_ =	swait.ge @!p0 [sflag:s8], $0x0  }
0x24: {  	s3 =	sadd.s32 $0x88, s3;
	s6 =	simm.s32 @!p1 $0x1082;
	[sflag:s4] =	ssyncset.s32 $0xFFFFF086  }
0x25: {  	[simem:s6], [sflag:s4] =	dma.local [hbm:s3], $0xF7A  }
0x26: {  	[smem:$0x3F9A] =	sst s1;
	(tag) =	ssettag s2;
	_ =	strace s9  }
0x27: {  	s1 =	sld [smem:$0x3FAA]  }
0x28: {  	s2 =	sld [smem:$0x3FAB]  }
0x29: {  	s4 =	sld [smem:$0x3FAD]  }
0x2a: {  	p0 =	seq.s32 s5, $0x0;
	s5 =	sld [smem:$0x3FAE]  }
0x2b: {  	s6 =	sld [smem:$0x3FAF]  }
0x2c: {  	s7 =	sld [smem:$0x3FB0]  }
0x2d: {  	s3 =	simm.s32 $0x108;
	s8 =	sld [smem:$0x3FB1]  }
0x2e: {  	s3 =	simm.s32 @!p0 $0x1082;
	s9 =	sld [smem:$0x3FB2]  }
0x2f: {  	lr =	sadd.s32 s0, s3;
	s0 =	sld [smem:$0x3FA9]  }
0x30: {  	s3 =	sld [smem:$0x3FAC]  }
0x31: {  	[smem:$0x3FB5] =	sst s10  }
0x32: {  	s10 =	sld [smem:$0x3FB3];
	_ =	sdelay $0x3  }
0x33: {  	p0 =	seq.s32 s10, $0x1;
	s10 =	sld [smem:$0x3FB5];
	_ =	sdelay $0x3  }
0x34: {  	[smem:$0x3FB5] =	sst s10  }
0x35: {  	s10 =	sld [smem:$0x3FB4];
	_ =	sdelay $0x3  }
0x36: {  	p1 =	seq.s32 s10, $0x1;
	s10 =	sld [smem:$0x3FB5];
	_ =	sdelay $0x3  }
0x37: {  	[smem:$0x3FB5] =	sst s10  }
0x38: {  	s10 =	sld [smem:$0x3FB6]  }
0x39: {  	_ = 	snop;
	(pc) =	sbr.ind lr, $3  }
0x3a: {  	_ = 	snop  }
0x3b: {  	_ = 	snop  }
0x3c: {  	p2 =	seq.s32 s10, $0x1;
	s10 =	sld [smem:$0x3FB5]  }
0x3d: {  	_ =	shalt  }
0x3e: {  	_ =	shalt  }
0x3f: {  	_ =	shalt  }
0x40: {  	_ =	shalt  }
0x41: {  	_ =	shalt  }
0x42: {  	_ =	shalt  }
0x43: {  	_ =	shalt  }
0x44: {  	_ =	shalt  }
0x45: {  	_ =	shalt  }
0x46: {  	_ =	shalt  }
0x47: {  	_ =	shalt  }
0x48: {  	_ =	shalt  }
0x49: {  	_ =	shalt  }
0x4a: {  	_ =	shalt  }
0x4b: {  	_ =	shalt  }
0x4c: {  	_ =	shalt  }
0x4d: {  	_ =	shalt  }
0x4e: {  	_ =	shalt  }
0x4f: {  	_ =	shalt  }
0x50: {  	_ =	shalt  }
0x51: {  	_ =	shalt  }
0x52: {  	_ =	shalt  }
0x53: {  	_ =	shalt  }
0x54: {  	_ =	shalt  }
0x55: {  	_ =	shalt  }
0x56: {  	_ =	shalt  }
0x57: {  	_ =	shalt  }
0x58: {  	_ =	shalt  }
0x59: {  	_ =	shalt  }
0x5a: {  	_ =	shalt  }
0x5b: {  	_ =	shalt  }
0x5c: {  	_ =	shalt  }
0x5d: {  	_ =	shalt  }
0x5e: {  	_ =	shalt  }
0x5f: {  	_ =	shalt  }
0x60: {  	_ =	shalt  }
0x61: {  	_ =	shalt  }
0x62: {  	_ =	shalt  }
0x63: {  	_ =	shalt  }
0x64: {  	_ =	shalt  }
0x65: {  	_ =	shalt  }
0x66: {  	_ =	shalt  }
0x67: {  	_ =	shalt  }
0x68: {  	_ =	shalt  }
0x69: {  	_ =	shalt  }
0x6a: {  	_ =	shalt  }
0x6b: {  	_ =	shalt  }
0x6c: {  	_ =	shalt  }
0x6d: {  	_ =	shalt  }
0x6e: {  	_ =	shalt  }
0x6f: {  	_ =	shalt  }
0x70: {  	_ =	shalt  }
0x71: {  	_ =	shalt  }
0x72: {  	_ =	shalt  }
0x73: {  	_ =	shalt  }
0x74: {  	_ =	shalt  }
0x75: {  	_ =	shalt  }
0x76: {  	_ =	shalt  }
0x77: {  	_ =	shalt  }
0x78: {  	_ =	shalt  }
0x79: {  	_ =	shalt  }
0x7a: {  	_ =	shalt  }
0x7b: {  	_ =	shalt  }
0x7c: {  	_ =	shalt  }
0x7d: {  	_ =	shalt  }
0x7e: {  	_ =	shalt  }
0x7f: {  	_ =	shalt  }
0x80: {  	_ =	shalt  }
0x81: {  	_ =	shalt  }
0x82: {  	_ =	shalt  }
0x83: {  	_ =	shalt  }
0x84: {  	_ =	shalt  }
0x85: {  	_ =	shalt  }
0x86: {  	_ =	shalt  }
0x87: {  	_ =	shalt  }
.Lfunc_end0:
.L_simem_size_0:
called_computation.4_lowered:
.L_overlay_start_0:
0x88: {  	s2 =	sld [smem:$0x3FD9]  }
0x89: {  	s3 =	sld [smem:$0x3FFE];
	_ =	sdelay $0x1  }
0x8a: {  	s1 =	srdreg.scid  }
0x8b: {  	s0 =	sand.u32 $0x1, s1  }
0x8c: {  	s16 =	sshll.u32 s0, $0xA;
	s2 =	sadd.s32 s3, s2  }
0x8d: {  	s2 =	sadd.s32 s2, s16  }
0x8e: {  	[smem:$0x3FC1] =	sst s2  }
0x8f: {  	_ = 	snop  }
0x90: {  	(tm) =	ssettm $0x1  }
0x91: {  	s17 =	sld [smem:$0x3FFB];
	_ =	sdelay $0x3  }
0x92: {  	_ =	strace s17  }
0x93: {  	s2 =	sld [smem:$0x3FFC];
	_ =	sdelay $0x3  }
0x94: {  	_ =	strace s2  }
0x95: {  	s2 =	sld [smem:$0x3FFD];
	_ =	sdelay $0x3  }
0x96: {  	_ =	strace s2  }
0x97: {  	_ =	strace $0x8FFFFFFF  }
0x98: {  	s18 =	sld [smem:$0x3FDB];
	_ =	sdelay $0x1  }
0x99: {  	s19 =	simm.s32 $_scs_section_size  }
0x9a: {  	s4 =	simm.s32 $_size__tile_overlayer_lowered;
	s5 =	simm.s32 $_tile_overlayer_lowered  }
0x9b: {  	s22 =	simm.s32 $0x1BFF;
	s21 =	sshll.u32 s5, $0x1;
	s2 =	sadd.s32 s19, s18  }
0x9c: {  	s6 =	simm.s32 $0x0;
	s20 =	sshll.u32 s4, $0x1;
	s4 =	sadd.s32 s21, s2  }
0x9d: {  	[timem:s6], [sflag:s22] =	dma.local [hbm:s4], s20  }
0x9e: {  	_ =	swait.ge [sflag:s22], s20  }
0x9f: {  	s3 =	ssub.s32 $0x0, s20;
	[sflag:s22] =	ssyncset.done $0x0  }
0xa0: {  	[sflag:s22] =	ssyncadd.s32 s3;
	_ =	sdelay $0x1  }
0xa1: {  	s23 =	simm.s32 $0x1B8B  }
0xa2: {  	_ =	swait.ge [sflag:s23], $0x1  }
0xa3: {  	[sflag:s23] =	ssyncset.done $0x0  }
0xa4: {  	s25 =	simm.s32 $0x1B8E;
	s24 =	sld [smem:$0x3FFE];
	[sflag:s23] =	ssyncadd.s32 $0xFFFFFFFF  }
0xa5: {  	s26 =	simm.s32 $execute0_lowered;
	[smem:$0x3FD2] =	sst s25  }
0xa6: {  	s4 =	sshll.u32 s26, $0x1;
	_ =	strace $0x80000052;
	[dreg:$0x1] =	wrdreg $0xFFFFFFFF  }
0xa7: {  	s28 =	simm.s32 $_size_execute0_lowered;
	s2 =	sadd.s32 s2, s4;
	[dreg:$0x0] =	wrdreg $0x0  }
0xa8: {  	s4 =	sshll.u32 s28, $0x1;
	[dreg:$0x2] =	wrdreg s2  }
0xa9: {  	[dreg:$0x3] =	wrdreg s4  }
0xaa: {  	[dreg:$0x4] =	wrdreg $0xC0  }
0xab: {  	_ =	task [dreg:s6], $0x5FFFF  }
0xac: {  	[dreg:$0x1] =	wrdreg $0xFFFFFFFF  }
0xad: {  	[dreg:$0x0] =	wrdreg $0x60  }
0xae: {  	[dreg:$0x2] =	wrdreg s24  }
0xaf: {  	[dreg:$0x3] =	wrdreg $0x9  }
0xb0: {  	_ =	task.clear_ibuf [dreg:s6], $0x4FFFF;
	_ =	strace $0x90000052  }
0xb1: {  	s29 =	simm.s32 $0x9;
	_ =	strace $0x80000054  }
0xb2: {  	_ =	swait.ge [sflag:s29], $0x1  }
0xb3: {  	[sflag:s29] =	ssyncadd.s32 $0xFFFFFFFF  }
0xb4: {  	_ =	strace $0x90000054  }
0xb5: {  	_ =	sfence  }
0xb6: {  	s30 =	sld [smem:$0x0];
	_ =	sdelay $0x2  }
0xb7: {  	s31 =	sshll.u32 s1, $0xD;
	s1 =	sshrl.u32 s1, $0x2  }
0xb8: {  	s3 =	sand.u32 $0x4000, s31;
	s1 =	sadd.s32 s1, s30  }
0xb9: {  	s0 =	sor.u32 s3, s0;
	s1 =	sshll.u32 s1, $0x11  }
0xba: {  	s0 =	sor.u32 s1, s0  }
0xbb: {  	s0 =	sadd.s32 $0x8F2B, s0  }
0xbc: {  	[sflag:s0] =	ssyncadd.remote.s32 $0x1  }
0xbd: {  	_ =	sfence.sel $0xFFFF  }
0xbe: {  	[dreg:$0x0] =	wrdreg $0xFFFFFFFF;
	(pc) =	sbr.abs _section_cstart, $3  }
0xbf: {  	[dreg:$0x1] =	wrdreg $0xFFFFFFFF  }
0xc0: {  	_ =	task.clear_ibuf [dreg:s6], $0x2FFFF;
	_ =	strace $0x9FFFFFFF  }
0xc1: {  	(tm) =	ssettm $0x7FFFFFFF  }
tec
execute0_lowered:
.L_overlay_start_1:
0x0: {  	(tag) =	ssettag $0x1  }
0x1: {  	s0 =	stileid.u32;
	s1 =	srdreg.scid  }
0x2: {  	s4 =	rddreg [dreg:$0x0];
	s9 =	simm.s32 $0x1;
	s10 =	simm.s32 $0x3  }
0x3: {  	s12 =	simm.s32 $0x0;
	s1 =	sand.u32 $0x1, s1;
	s2 =	sshll.u32 s0, $0x1  }
0x4: {  	s11 =	simm.s32 $0x0;
	s3 =	sadd.s32 $0x20600, s4;
	s6 =	sor.u32 s2, s1  }
0x5: {  	s2 =	smul.u32 $0x180, s6;
	p0 =	seq.s32 s6, $0x0;
	s6 =	simm.s32 $0x3000  }
0x6: {  	s1 =	rddreg [dreg:$0x1];
	_ =	strace $0x80000053;
	s6 =	simm.s32 @!p0 $0x0  }
0x7: {  	s9 =	simm.s32 @!p0 $0x0;
	s5 =	sshrl.u32 s2, $0x3;
	s7 =	ssub.s32 $0x3000, s2  }
.Ltmp0:
0x8: {  	s8 =	sadd.s32 s5, s4;
	s4 =	sadd.s32 $0x32E600, s4;
	(pc) =	sbr.rel .LBB2_1-.Ltmp0, $4  }
0x9: {  	s5 =	simm.s32 $0x1;
	p0 =	sne.s32 s7, s6;
	s7 =	simm.s32 $0x1  }
0xa: {  	s6 =	simm.s32 $0x2;
	[sflag:s5] =	ssyncpa.u1 $0x0;
	s7 =	simm.s32 @!p0 $0x0  }
0xb: {  	s8 =	sadd.s32 $0x32E000, s8;
	[sflag:s6] =	ssyncpa.u1 $0x0;
	s7 =	sadd.s32 s9, s7  }
0xc: {  	vm0 =	vmmov $0xffff;
	[sflag:s10] =	ssyncpa.u1 $0x0;
	s9 =	sadd.s32 $0x1, s7;
	s10 =	simm.s32 $0x0  }
.LBB2_4:
0xd: {  	vm1 =	veq.s32 v0, $0x80000000;
	v1 =	vand.u32 $0x7F, v0;
	v62 =	vshll.u32 v0, $0x2  }
0xe: {  	v1 =	vsel vm1, $0xFFFFFFFF, v1;
	v0 =	vand.u32 $0x3FFFE00, v62  }
0xf: {  	v0 =	vsel vm1, $0xFFFFFE00, v0;
	v2 =	vand.u32 $0xFFFFFE00, v1;
	v1 =	vshll.u32 v1, $0x1  }
0x10: {  	v0 =	vadd.s32 v2, v0;
	v1 =	vand.u32 $0xFE, v1  }
0x11: {  	v0 =	vor.u32 v1, v0  }
0x12: {  	v0 =	vshrl.u32 v0, $0x1  }
0x13: {  	s14 =	sand.u32 $0x600, s16;
	s15 =	sadd.s32 $0x20, s15  }
0x14: {  	s15 =	sand.u32 $0xE0, s15;
	s14 =	sshrl.u32 s14, $0x1  }
0x15: {  	(ifvalue) =	ssetifvalue $0x7FFFFFFF;
	s14 =	sadd.s32 s14, s13;
	s15 =	sshrl.u32 s15, $0x1;
	v63 =	vor.u32 $0x80, v0  }
0x16: {  	(ifvalue) =	ssetifvalue $0x7FFFFFFF;
	s14 =	sadd.s32 s15, s14  }
0x17: {  	[tilespmem:s14], [sflag:$0x1] =	stream.indirect_vreg.gather [hbm4b:s3+s10], $0x1, v0, vm0, $0x4038;
	[tilespmem:$0x900] =	vst v63  }
0x18: {  	(ifvalue) =	ssetifvalue $0x7FFFFFFF  }
0x19: {  	s14 =	sadd.s32 $0x80, s14;
	(ifvalue) =	ssetifvalue $0x7FFFFFFF  }
0x1a: {  	[tilespmem:s14], [sflag:$0x1] =	stream.indirect_vreg.gather [hbm4b:s3+s10], $0x1, v63, vm0, $0x4038;
	[tilespmem:$0x900] =	vst v63  }
0x1b: {  	_ =	swait.ge [sflag:s5], $0x300  }
0x1c: {  	s12 =	sshrl.u32 s12, $0x2;
	[sflag:s5] =	ssyncset.done $0x0  }
0x1d: {  	s12 =	sadd.s32 s4, s12;
	[sflag:s5] =	ssyncadd.s32 $0xFFFFFD00  }
0x1e: {  	[hbm:s12] =	stream.linear.scatter [tilespmem:s13], [sflag:$0x3], $0x300, $0x38;
	[tilespmem:$0x900] =	vst v63  }
.LBB2_5:
0x1f: {  	p1 =	sne.s32 s11, s9  }
.Ltmp1:
0x20: {  	p0 =	slt.u32 s11, $0x2;
	(pc) =	sbr.rel @!p1 .LBB2_6-.Ltmp1, $4  }
0x21: {  	s12 =	simm.s32 @!p0 $0x3  }
0x22: {  	_ =	swait.ge @!p0 [sflag:s12], $0x300  }
0x23: {  	s13 =	sadd.s32 $0x1, s11;
	[sflag:s12] =	ssyncset.done @!p0 $0x0  }
0x24: {  	s11 =	smov.u32 s13;
	[sflag:s12] =	ssyncadd.s32 @!p0 $0xFFFFFD00;
	s12 =	smov.u32 s2  }
.LBB2_1:
0x25: {  	p0 =	sge.u32 s11, s7  }
0x26: {  	s13 =	sxor.u32 @!p0 $0x1, s11  }
0x27: {  	s13 =	smul.u32 @!p0 $0x600, s13;
	_ =	sdelay $0x1  }
0x28: {  	s31 =	sadd.s32 $0xFFFFFFFF, s11;
	s14 =	simm.s32 @!p0 $0x0;
	s13 =	sshra.s32 @!p0 s13, $0x2  }
0x29: {  	[tilespmem:s13], [sflag:$0x2] =	stream.linear.gather @!p0 [hbm4b:s8+s14], $0x180, $0x38;
	[tilespmem:$0x900] =	vst v63  }
0x2a: {  	p0 =	sge.u32 s31, s7  }
.Ltmp2:
0x2b: {  	_ = 	snop;
	(pc) =	sbr.rel @p0 .LBB2_5-.Ltmp2, $1  }
0x2c: {  	_ =	sdelay $0x3  }
0x2d: {  	s13 =	sand.u32 $0x1, s11  }
0x2e: {  	p0 =	seq.s32 s13, $0x1;
	s13 =	simm.s32 $0x600  }
0x2f: {  	_ =	swait.ge [sflag:s6], $0x180;
	s13 =	simm.s32 @!p0 $0x0  }
0x30: {  	[sflag:s6] =	ssyncset.done $0x0;
	s14 =	sshrl.u32 s13, $0x2  }
0x31: {  	[sflag:s6] =	ssyncadd.s32 $0xFFFFFE80;
	s15 =	sadd.s32 $0x0, s14  }
0x32: {  	v0 =	vld.msk [tilespmem:s15+$0x0 ss:$0x1], $0xffff;
	_ =	sdelay $0x4  }
0x33: {  	vm1 =	veq.s32 v0, $0x80000000;
	v1 =	vand.u32 $0x7F, v0;
	v0 =	vshll.u32 v0, $0x2  }
0x34: {  	v1 =	vsel vm1, $0xFFFFFFFF, v1;
	v0 =	vand.u32 $0x3FFFE00, v0  }
0x35: {  	v0 =	vsel vm1, $0xFFFFFE00, v0;
	v2 =	vand.u32 $0xFFFFFE00, v1;
	v1 =	vshll.u32 v1, $0x1  }
0x36: {  	v0 =	vadd.s32 v2, v0;
	v1 =	vand.u32 $0xFE, v1  }
0x37: {  	v0 =	vor.u32 v1, v0  }
0x38: {  	s15 =	simm.s32 $0x0;
	v0 =	vshrl.u32 v0, $0x1  }
0x39: {  	s13 =	sshrl.u32 s13, $0x1;
	s16 =	sand.u32 $0x600, s15  }
0x3a: {  	s13 =	sadd.s32 $0x300, s13;
	s17 =	sand.u32 $0xE0, s15;
	s16 =	sshrl.u32 s16, $0x1  }
0x3b: {  	(ifvalue) =	ssetifvalue $0x7FFFFFFF;
	s17 =	sshrl.u32 s17, $0x1;
	s16 =	sadd.s32 s16, s13;
	v1 =	vor.u32 $0x80, v0  }
0x3c: {  	(ifvalue) =	ssetifvalue $0x7FFFFFFF;
	s16 =	sadd.s32 s17, s16  }
0x3d: {  	[tilespmem:s16], [sflag:$0x1] =	stream.indirect_vreg.gather [hbm4b:s3+s10], $0x1, v0, vm0, $0x4038;
	[tilespmem:$0x900] =	vst v63  }
0x3e: {  	(ifvalue) =	ssetifvalue $0x7FFFFFFF  }
0x3f: {  	s31 =	sadd.s32 $0x10, s14;
	s16 =	sadd.s32 $0x80, s16;
	(ifvalue) =	ssetifvalue $0x7FFFFFFF  }
0x40: {  	[tilespmem:s16], [sflag:$0x1] =	stream.indirect_vreg.gather [hbm4b:s3+s10], $0x1, v1, vm0, $0x4038;
	[tilespmem:$0x900] =	vst v63  }
0x41: {  	s17 =	simm.s32 $0x80;
	s16 =	simm.s32 $0x40;
	v0 =	vld.msk [tilespmem:s31+$0x0 ss:$0x1], $0xffff  }
.LBB2_3:
0x42: {  	p0 =	sne.s32 s17, $0x5C0;
	_ =	sdelay $0x4  }
0x43: {  	vm1 =	veq.s32 v0, $0x80000000;
	v1 =	vand.u32 $0x7F, v0;
	v0 =	vshll.u32 v0, $0x2  }
0x44: {  	v1 =	vsel vm1, $0xFFFFFFFF, v1;
	v0 =	vand.u32 $0x3FFFE00, v0  }
0x45: {  	v0 =	vsel vm1, $0xFFFFFE00, v0;
	v2 =	vand.u32 $0xFFFFFE00, v1;
	v1 =	vshll.u32 v1, $0x1  }
0x46: {  	v0 =	vadd.s32 v2, v0;
	v1 =	vand.u32 $0xFE, v1  }
0x47: {  	v0 =	vor.u32 v1, v0  }
0x48: {  	v0 =	vshrl.u32 v0, $0x1  }
0x49: {  	s18 =	sand.u32 $0x600, s16;
	s15 =	sadd.s32 $0x20, s15;
	s16 =	smov.u32 s17  }
0x4a: {  	s19 =	sand.u32 $0xE0, s15;
	s18 =	sshrl.u32 s18, $0x1  }
0x4b: {  	s18 =	sadd.s32 s18, s13;
	s19 =	sshrl.u32 s19, $0x1;
	v1 =	vor.u32 $0x80, v0;
	(ifvalue) =	ssetifvalue $0x7FFFFFFF  }
0x4c: {  	s18 =	sadd.s32 s19, s18;
	(ifvalue) =	ssetifvalue $0x7FFFFFFF  }
0x4d: {  	[tilespmem:s18], [sflag:$0x1] =	stream.indirect_vreg.gather [hbm4b:s3+s10], $0x1, v0, vm0, $0x4038;
	[tilespmem:$0x900] =	vst v63  }
.Ltmp3:
0x4e: {  	_ = 	snop;
	(pc) =	sbr.rel @p0 .LBB2_3-.Ltmp3, $4  }
0x4f: {  	s19 =	sshra.s32 s17, $0x2;
	(ifvalue) =	ssetifvalue $0x7FFFFFFF  }
0x50: {  	s19 =	sadd.s32 s19, s14;
	s18 =	sadd.s32 $0x80, s18;
	(ifvalue) =	ssetifvalue $0x7FFFFFFF  }
0x51: {  	[tilespmem:s18], [sflag:$0x1] =	stream.indirect_vreg.gather [hbm4b:s3+s10], $0x1, v1, vm0, $0x4038;
	[tilespmem:$0x900] =	vst v63  }
0x52: {  	s17 =	sadd.s32 $0x40, s17;
	v0 =	vld.msk [tilespmem:s19+$0x0 ss:$0x1], $0xffff  }
.Ltmp4:
0x53: {  	_ = 	snop;
	(pc) =	sbr.rel .LBB2_4-.Ltmp4, $1  }
0x54: {  	_ =	sdelay $0x3  }
.LBB2_6:
0x55: {  	_ =	sfence.sel $0x180000  }
0x56: {  	s2 =	simm.s32 $0x2;
	[bflag:$0x0] =	sbarrier.arrive $0xFFFF  }
0x57: {  	s30 =	simm.s32 $0x3;
	[sflag:s2] =	ssyncpa.u1 $0x1  }
0x58: {  	s31 =	simm.s32 $0x1;
	[sflag:s30] =	ssyncpa.u1 $0x1  }
0x59: {  	[sflag:s31] =	ssyncpa.u1 $0x1  }
0x5a: {  	p0 =	sne.s32 s0, $0x0;
	_ =	strace $0x90000053  }
0x5b: {  	s0 =	sadd.s32 @!p0 $0x100000, s1;
	[bflag:$0x2] =	sbarrier.arrive $0xFFFF  }
0x5c: {  	[sflag:s0] =	ssyncadd.tile.s32 @!p0 $0x1;
	_ =	shalt  }
.Lfunc_end2:
_tile_overlayer_lowered:
.L_overlay_start_2:
0x5d: {  	(tag) =	ssettag $0x2  }
0x5e: {  	s0 =	rddreg [dreg:$0x0];
	s2 =	stileid.u32  }
0x5f: {  	s1 =	rddreg [dreg:$0x1];
	p0 =	sne.s32 s2, $0x0  }
0x60: {  	s3 =	rddreg [dreg:$0x2];
	[bflag:$0x3] =	sbarrier.arrive $0xFFFF;
	s2 =	simm.s32 @!p0 $0x1C01  }
0x61: {  	[timem:s3], [sflag:s2] =	dma.local @!p0 [hbm:s0], s1  }
0x62: {  	s0 =	simm.s32 @!p0 $0x1  }
0x63: {  	_ =	swait.ge @!p0 [sflag:s0], s1  }
0x64: {  	s1 =	ssub.s32 @!p0 $0x0, s1;
	[sflag:s0] =	ssyncset.done @!p0 $0x0  }
0x65: {  	[sflag:s0] =	ssyncadd.s32 @!p0 s1  }
0x66: {  	[bflag:$0x3] =	sbarrier.arrive $0xFFFF  }
0x67: {  	_ =	shalt  }

// kernel: gather_offload_async_start.5
scs
__scs_entry_jumppad:
0x0: {  	(pc) =	sbr.rel $0x88, $3  }
0x1: {  	(tag) =	ssettag $0x0;
	lr =	simm.s32 $0x1  }
0x2: {  	[smem:$0x3F9A] =	sst lr;
	_ =	strace $0xD0000000  }
0x3: {  	_ = 	snop  }
0x4: {  	_ = 	snop  }
0x5: {  	_ = 	snop  }
0x6: {  	_ = 	snop  }
0x7: {  	_ = 	snop  }
__scs_overlays_trampoline_lowered:
0x8: {  	[smem:$0x3FA9] =	sst s0  }
0x9: {  	[smem:$0x3FAA] =	sst s1  }
0xa: {  	[smem:$0x3FAB] =	sst s2  }
0xb: {  	[smem:$0x3FAC] =	sst s3  }
0xc: {  	[smem:$0x3FAD] =	sst s4  }
0xd: {  	[smem:$0x3FAE] =	sst s5  }
0xe: {  	[smem:$0x3FAF] =	sst s6  }
0xf: {  	[smem:$0x3FB0] =	sst s7  }
0x10: {  	[smem:$0x3FB1] =	sst s8  }
0x11: {  	[smem:$0x3FB2] =	sst s9;
	s0 =	simm.s32 @!p0 $0x0  }
0x12: {  	s1 =	sld [smem:$0x3F98];
	s0 =	simm.s32 @p0 $0x1  }
0x13: {  	[smem:$0x3FB3] =	sst s0;
	s0 =	simm.s32 @!p1 $0x0  }
0x14: {  	s2 =	sld [smem:$0x3F97];
	s0 =	simm.s32 @p1 $0x1  }
0x15: {  	[smem:$0x3FB4] =	sst s0;
	s0 =	simm.s32 @!p2 $0x0  }
0x16: {  	s3 =	sld [smem:$0x3FDB];
	s0 =	simm.s32 @p2 $0x1  }
0x17: {  	s4 =	simm.s32 $0x1BF5;
	[smem:$0x3FB6] =	sst s0  }
0x18: {  	s0 =	sld [smem:$0x3F99];
	_ =	swait.ge [sflag:s4], $0x0  }
0x19: {  	s7 =	sld [smem:$0x3F9A]  }
0x1a: {  	s8 =	sadd.s32 $0xFFFFE003, lr  }
0x1b: {  	s9 =	sadd.s32 $0xFFFFFEF7, lr;
	s5 =	simm.s32 $0xFFFFFFFF;
	p2 =	slt.u32 s8, $0xFFFFF086  }
0x1c: {  	p1 =	slt.u32 s9, $0xF7A;
	s5 =	simm.s32 @!p2 $0x0  }
0x1d: {  	s5 =	simm.s32 @p1 $0x1;
	p0 =	seq.s32 s7, s2  }
0x1e: {  	s7 =	smul.u32 @!p0 $0xF7A, s2;
	p2 =	seq.s32 @!p0 s5, $0x0  }
0x1f: {  	s9 =	smul.u32 $0xF7A, s1;
	s8 =	simm.s32 @!p0 $0x1BF5;
	p2 =	por !p2, p0  }
0x20: {  	[sflag:s8] =	ssyncset.s32 @!p0 $0xFFFFF086;
	s6 =	sadd.s32 @!p0 s3, s7;
	s7 =	simm.s32 @!p0 $0x108  }
0x21: {  	s3 =	sadd.s32 s3, s9;
	s6 =	sadd.s32 @!p0 $0x88, s6;
	s7 =	simm.s32 @p2 $0x1082  }
0x22: {  	[simem:s7], [sflag:s8] =	dma.local @!p0 [hbm:s6], $0xF7A  }
0x23: {  	s9 =	sor.u32 $0xD0000000, s2;
	s6 =	simm.s32 $0x108;
	_ =	swait.ge @!p0 [sflag:s8], $0x0  }
0x24: {  	s3 =	sadd.s32 $0x88, s3;
	s6 =	simm.s32 @!p1 $0x1082;
	[sflag:s4] =	ssyncset.s32 $0xFFFFF086  }
0x25: {  	[simem:s6], [sflag:s4] =	dma.local [hbm:s3], $0xF7A  }
0x26: {  	[smem:$0x3F9A] =	sst s1;
	(tag) =	ssettag s2;
	_ =	strace s9  }
0x27: {  	s1 =	sld [smem:$0x3FAA]  }
0x28: {  	s2 =	sld [smem:$0x3FAB]  }
0x29: {  	s4 =	sld [smem:$0x3FAD]  }
0x2a: {  	p0 =	seq.s32 s5, $0x0;
	s5 =	sld [smem:$0x3FAE]  }
0x2b: {  	s6 =	sld [smem:$0x3FAF]  }
0x2c: {  	s7 =	sld [smem:$0x3FB0]  }
0x2d: {  	s3 =	simm.s32 $0x108;
	s8 =	sld [smem:$0x3FB1]  }
0x2e: {  	s3 =	simm.s32 @!p0 $0x1082;
	s9 =	sld [smem:$0x3FB2]  }
0x2f: {  	lr =	sadd.s32 s0, s3;
	s0 =	sld [smem:$0x3FA9]  }
0x30: {  	s3 =	sld [smem:$0x3FAC]  }
0x31: {  	[smem:$0x3FB5] =	sst s10  }
0x32: {  	s10 =	sld [smem:$0x3FB3];
	_ =	sdelay $0x3  }
0x33: {  	p0 =	seq.s32 s10, $0x1;
	s10 =	sld [smem:$0x3FB5];
	_ =	sdelay $0x3  }
0x34: {  	[smem:$0x3FB5] =	sst s10  }
0x35: {  	s10 =	sld [smem:$0x3FB4];
	_ =	sdelay $0x3  }
0x36: {  	p1 =	seq.s32 s10, $0x1;
	s10 =	sld [smem:$0x3FB5];
	_ =	sdelay $0x3  }
0x37: {  	[smem:$0x3FB5] =	sst s10  }
0x38: {  	s10 =	sld [smem:$0x3FB6]  }
0x39: {  	_ = 	snop;
	(pc) =	sbr.ind lr, $3  }
0x3a: {  	_ = 	snop  }
0x3b: {  	_ = 	snop  }
0x3c: {  	p2 =	seq.s32 s10, $0x1;
	s10 =	sld [smem:$0x3FB5]  }
0x3d: {  	_ =	shalt  }
0x3e: {  	_ =	shalt  }
0x3f: {  	_ =	shalt  }
0x40: {  	_ =	shalt  }
0x41: {  	_ =	shalt  }
0x42: {  	_ =	shalt  }
0x43: {  	_ =	shalt  }
0x44: {  	_ =	shalt  }
0x45: {  	_ =	shalt  }
0x46: {  	_ =	shalt  }
0x47: {  	_ =	shalt  }
0x48: {  	_ =	shalt  }
0x49: {  	_ =	shalt  }
0x4a: {  	_ =	shalt  }
0x4b: {  	_ =	shalt  }
0x4c: {  	_ =	shalt  }
0x4d: {  	_ =	shalt  }
0x4e: {  	_ =	shalt  }
0x4f: {  	_ =	shalt  }
0x50: {  	_ =	shalt  }
0x51: {  	_ =	shalt  }
0x52: {  	_ =	shalt  }
0x53: {  	_ =	shalt  }
0x54: {  	_ =	shalt  }
0x55: {  	_ =	shalt  }
0x56: {  	_ =	shalt  }
0x57: {  	_ =	shalt  }
0x58: {  	_ =	shalt  }
0x59: {  	_ =	shalt  }
0x5a: {  	_ =	shalt  }
0x5b: {  	_ =	shalt  }
0x5c: {  	_ =	shalt  }
0x5d: {  	_ =	shalt  }
0x5e: {  	_ =	shalt  }
0x5f: {  	_ =	shalt  }
0x60: {  	_ =	shalt  }
0x61: {  	_ =	shalt  }
0x62: {  	_ =	shalt  }
0x63: {  	_ =	shalt  }
0x64: {  	_ =	shalt  }
0x65: {  	_ =	shalt  }
0x66: {  	_ =	shalt  }
0x67: {  	_ =	shalt  }
0x68: {  	_ =	shalt  }
0x69: {  	_ =	shalt  }
0x6a: {  	_ =	shalt  }
0x6b: {  	_ =	shalt  }
0x6c: {  	_ =	shalt  }
0x6d: {  	_ =	shalt  }
0x6e: {  	_ =	shalt  }
0x6f: {  	_ =	shalt  }
0x70: {  	_ =	shalt  }
0x71: {  	_ =	shalt  }
0x72: {  	_ =	shalt  }
0x73: {  	_ =	shalt  }
0x74: {  	_ =	shalt  }
0x75: {  	_ =	shalt  }
0x76: {  	_ =	shalt  }
0x77: {  	_ =	shalt  }
0x78: {  	_ =	shalt  }
0x79: {  	_ =	shalt  }
0x7a: {  	_ =	shalt  }
0x7b: {  	_ =	shalt  }
0x7c: {  	_ =	shalt  }
0x7d: {  	_ =	shalt  }
0x7e: {  	_ =	shalt  }
0x7f: {  	_ =	shalt  }
0x80: {  	_ =	shalt  }
0x81: {  	_ =	shalt  }
0x82: {  	_ =	shalt  }
0x83: {  	_ =	shalt  }
0x84: {  	_ =	shalt  }
0x85: {  	_ =	shalt  }
0x86: {  	_ =	shalt  }
0x87: {  	_ =	shalt  }
.Lfunc_end0:
.L_simem_size_0:
called_computation.5_lowered:
.L_overlay_start_0:
0x88: {  	s2 =	sld [smem:$0x3FD9]  }
0x89: {  	s3 =	sld [smem:$0x3FFE];
	_ =	sdelay $0x1  }
0x8a: {  	s1 =	srdreg.scid  }
0x8b: {  	s0 =	sand.u32 $0x1, s1  }
0x8c: {  	s14 =	sshll.u32 s0, $0xA;
	s2 =	sadd.s32 s3, s2  }
0x8d: {  	s2 =	sadd.s32 s2, s14  }
0x8e: {  	[smem:$0x3FC1] =	sst s2  }
0x8f: {  	_ = 	snop  }
0x90: {  	s2 =	sld [smem:$0x3FD0];
	_ =	sdelay $0x2  }
0x91: {  	s15 =	simm.s32 $0xA;
	s4 =	simm.s32 $0x10  }
0x92: {  	[smem:s4], [sflag:s15] =	dma.local [hbm:s2], $0x1  }
0x93: {  	_ =	swait.eq [sflag:s15], $0x1  }
0x94: {  	[sflag:s15] =	ssyncset.done $0x0  }
0x95: {  	[sflag:s15] =	ssyncadd.s32 $0xFFFFFFFF  }
0x96: {  	s16 =	sld [smem:$0x11];
	(tm) =	ssettm $0x1  }
0x97: {  	s17 =	sld [smem:$0x3FFB];
	_ =	sdelay $0x3  }
0x98: {  	_ =	strace s17  }
0x99: {  	s3 =	sld [smem:$0x3FFC];
	_ =	sdelay $0x3  }
0x9a: {  	_ =	strace s3  }
0x9b: {  	s3 =	sld [smem:$0x3FFD];
	_ =	sdelay $0x3  }
0x9c: {  	_ =	strace s3  }
0x9d: {  	_ =	strace $0x8FFFFFFF  }
0x9e: {  	s18 =	sld [smem:$0x3FDB];
	_ =	sdelay $0x1  }
0x9f: {  	s19 =	simm.s32 $_scs_section_size  }
0xa0: {  	s5 =	simm.s32 $_size__tile_overlayer_lowered;
	s6 =	simm.s32 $_tile_overlayer_lowered  }
0xa1: {  	s22 =	simm.s32 $0x1BFF;
	s21 =	sshll.u32 s6, $0x1;
	s3 =	sadd.s32 s19, s18  }
0xa2: {  	s7 =	simm.s32 $0x0;
	s20 =	sshll.u32 s5, $0x1;
	s5 =	sadd.s32 s21, s3  }
0xa3: {  	[timem:s7], [sflag:s22] =	dma.local [hbm:s5], s20  }
0xa4: {  	_ =	swait.ge [sflag:s22], s20  }
0xa5: {  	s4 =	ssub.s32 $0x0, s20;
	[sflag:s22] =	ssyncset.done $0x0  }
0xa6: {  	[sflag:s22] =	ssyncadd.s32 s4;
	_ =	sdelay $0x1  }
0xa7: {  	s23 =	simm.s32 $0x1B8B  }
0xa8: {  	_ =	swait.ge [sflag:s23], $0x1  }
0xa9: {  	[sflag:s23] =	ssyncset.done $0x0  }
0xaa: {  	s25 =	simm.s32 $0x1B8E;
	s24 =	sld [smem:$0x3FFE];
	[sflag:s23] =	ssyncadd.s32 $0xFFFFFFFF  }
0xab: {  	s26 =	simm.s32 $execute0_lowered;
	[smem:$0x3FD2] =	sst s25  }
0xac: {  	s5 =	sshll.u32 s26, $0x1;
	_ =	strace $0x80000055;
	[dreg:$0x1] =	wrdreg $0xFFFFFFFF  }
0xad: {  	s28 =	simm.s32 $_size_execute0_lowered;
	s3 =	sadd.s32 s3, s5;
	[dreg:$0x0] =	wrdreg $0x0  }
0xae: {  	s5 =	sshll.u32 s28, $0x1;
	[dreg:$0x2] =	wrdreg s3  }
0xaf: {  	[dreg:$0x3] =	wrdreg s5  }
0xb0: {  	[dreg:$0x4] =	wrdreg $0xC0  }
0xb1: {  	_ =	task [dreg:s7], $0x5FFFF  }
0xb2: {  	[dreg:$0x1] =	wrdreg $0xFFFFFFFF  }
0xb3: {  	[dreg:$0x0] =	wrdreg $0x60  }
0xb4: {  	[dreg:$0x2] =	wrdreg s24  }
0xb5: {  	[dreg:$0x3] =	wrdreg s16  }
0xb6: {  	[dreg:$0x4] =	wrdreg $0x9  }
0xb7: {  	_ =	task.clear_ibuf [dreg:s7], $0x5FFFF;
	_ =	strace $0x90000055  }
0xb8: {  	s29 =	simm.s32 $0x9;
	_ =	strace $0x80000057  }
0xb9: {  	_ =	swait.ge [sflag:s29], $0x1  }
0xba: {  	[sflag:s29] =	ssyncadd.s32 $0xFFFFFFFF  }
0xbb: {  	_ =	strace $0x90000057  }
0xbc: {  	_ =	sfence  }
0xbd: {  	s30 =	sld [smem:$0x0];
	_ =	sdelay $0x2  }
0xbe: {  	s31 =	sshll.u32 s1, $0xD;
	s1 =	sshrl.u32 s1, $0x2  }
0xbf: {  	s3 =	sand.u32 $0x4000, s31;
	s1 =	sadd.s32 s1, s30  }
0xc0: {  	s0 =	sor.u32 s3, s0;
	s1 =	sshll.u32 s1, $0x11  }
0xc1: {  	s0 =	sor.u32 s1, s0  }
0xc2: {  	s0 =	sadd.s32 $0x8F2B, s0  }
0xc3: {  	[sflag:s0] =	ssyncadd.remote.s32 $0x1  }
0xc4: {  	_ =	sfence.sel $0xFFFF  }
0xc5: {  	[dreg:$0x0] =	wrdreg $0xFFFFFFFF;
	(pc) =	sbr.abs _section_cstart, $3  }
0xc6: {  	[dreg:$0x1] =	wrdreg $0xFFFFFFFF  }
0xc7: {  	_ =	task.clear_ibuf [dreg:s7], $0x2FFFF;
	_ =	strace $0x9FFFFFFF  }
0xc8: {  	(tm) =	ssettm $0x7FFFFFFF  }
0xc9: {  	_ =	shalt  }
tec
execute0_lowered:
.L_overlay_start_1:
0x0: {  	(tag) =	ssettag $0x1  }
0x1: {  	s5 =	rddreg [dreg:$0x0];
	s0 =	srdreg.scid  }
0x2: {  	s2 =	rddreg [dreg:$0x1];
	s1 =	stileid.u32;
	s6 =	simm.s32 $0x1  }
0x3: {  	s9 =	simm.s32 $0x1;
	s10 =	simm.s32 $0x3;
	s3 =	sshll.u32 s0, $0x7  }
0x4: {  	s13 =	simm.s32 $0x0;
	s4 =	sshll.u32 s1, $0x8;
	s3 =	sand.u32 $0x80, s3  }
0x5: {  	s0 =	rddreg [dreg:$0x2];
	_ =	strace $0x80000056;
	s3 =	sor.u32 s4, s3  }
0x6: {  	s12 =	simm.s32 $0x0;
	[sflag:s6] =	ssyncpa.u1 $0x0;
	s8 =	ssub.s32 $0x2000, s3  }
.Ltmp0:
0x7: {  	s4 =	sadd.s32 $0x32DA00, s5;
	s7 =	sand.u32 $0xF80, s8;
	(pc) =	sbr.rel .LBB2_1-.Ltmp0, $4  }
0x8: {  	s5 =	sadd.s32 $0x32E000, s5;
	s11 =	smov.u32 s3;
	p0 =	sne.s32 s7, $0x0  }
0x9: {  	s8 =	sshrl.u32 s8, $0xC;
	s7 =	simm.s32 $0x2;
	s9 =	simm.s32 @!p0 $0x0  }
0xa: {  	[sflag:s7] =	ssyncpa.u1 $0x0;
	p0 =	por $0x0, $0x0;
	s8 =	sadd.s32 s9, s8  }
0xb: {  	vm0 =	vmmov $0xffff;
	[sflag:s10] =	ssyncpa.u1 $0x0;
	s10 =	simm.s32 $0x0;
	s9 =	sadd.s32 $0x1, s8  }
.LBB2_4:
0xc: {  	vm1 =	veq.s32 v1, $0x80000000;
	v5 =	vand.u32 $0x7F, v1;
	v60 =	vand.u32 $0x3F80, v1  }
0xd: {  	v5 =	vsel vm1, $0xFFFFFFFF, v5;
	v1 =	vsel vm1, $0xFFFFFF80, v60  }
0xe: {  	v3 =	vor.u32 v4, v3;
	v61 =	vand.u32 $0xFFFFFC00, v1;
	v6 =	vand.u32 $0xFFFFFC00, v5  }
0xf: {  	v2 =	vor.u32 v2, v3;
	v1 =	vand.u32 $0x380, v1;
	v62 =	vadd.s32 v6, v61  }
0x10: {  	v63 =	vand.u32 $0x7F, v5;
	v1 =	vor.u32 v1, v62  }
0x11: {  	v1 =	vor.u32 v63, v1  }
0x12: {  	[tilespmem:s16], [sflag:$0x1] =	stream.indirect_vreg.gather [hbm4b:s4+s10], $0x1, v0, vm0, $0x4038;
	[tilespmem:$0x200] =	vst v63  }
0x13: {  	(ifvalue) =	ssetifvalue $0x7FFFFFFF  }
0x14: {  	[tilespmem:s15], [sflag:$0x1] =	stream.indirect_vreg.gather [hbm4b:s4+s10], $0x1, v2, vm0, $0x4038;
	[tilespmem:$0x200] =	vst v63  }
0x15: {  	s29 =	sadd.s32 $0x10, s15;
	(ifvalue) =	ssetifvalue $0x7FFFFFFF  }
0x16: {  	[tilespmem:s29], [sflag:$0x1] =	stream.indirect_vreg.gather [hbm4b:s4+s10], $0x1, v1, vm0, $0x4038;
	[tilespmem:$0x200] =	vst v63  }
0x17: {  	_ =	swait.ge [sflag:s6], $0x80  }
0x18: {  	s30 =	sshrl.u32 s13, $0x3;
	[sflag:s6] =	ssyncset.done $0x0  }
0x19: {  	s31 =	sand.u32 $0x7, s13;
	s15 =	sadd.s32 s5, s30;
	[sflag:s6] =	ssyncadd.s32 $0xFFFFFF80  }
0x1a: {  	[hbm4b:s15+s31] =	stream.linear.scatter [tilespmem:s14], [sflag:$0x3], $0x80, $0x38;
	[tilespmem:$0x200] =	vst v63  }
.LBB2_5:
0x1b: {  	s15 =	sadd.s32 $0x1000, s11  }
0x1c: {  	p2 =	sgt.s32 s15, $0x1FFF  }
0x1d: {  	s15 =	smov.u32 @p2 s3;
	p2 =	sne.s32 s12, s9  }
.Ltmp1:
0x1e: {  	p1 =	slt.u32 s12, $0x2;
	(pc) =	sbr.rel @!p2 .LBB2_6-.Ltmp1, $4  }
0x1f: {  	s14 =	simm.s32 @!p1 $0x3  }
0x20: {  	s16 =	sadd.s32 $0x1, s12;
	_ =	swait.ge @!p1 [sflag:s14], $0x80  }
0x21: {  	s13 =	smov.u32 s11;
	p0 =	por !p0, !p0;
	[sflag:s14] =	ssyncset.done @!p1 $0x0  }
0x22: {  	s12 =	smov.u32 s16;
	s11 =	smov.u32 s15;
	[sflag:s14] =	ssyncadd.s32 @!p1 $0xFFFFFF80  }
.LBB2_1:
0x23: {  	p1 =	sge.u32 s12, s8  }
0x24: {  	s14 =	sxor.u32 @!p1 $0xFFFFFFFF, s12  }
0x25: {  	s31 =	sadd.s32 $0xFFFFFFFF, s12;
	s15 =	sshrl.u32 @!p1 s11, $0x3;
	s14 =	sshll.u32 @!p1 s14, $0x7  }
0x26: {  	s16 =	sand.u32 @!p1 $0x7, s11;
	s15 =	sadd.s32 @!p1 s2, s15;
	s14 =	sand.u32 @!p1 $0x80, s14  }
0x27: {  	[tilespmem:s14], [sflag:$0x2] =	stream.linear.gather @!p1 [hbm4b:s15+s16], $0x80, $0x38;
	[tilespmem:$0x200] =	vst v63  }
0x28: {  	p1 =	sge.u32 s31, s8  }
.Ltmp2:
0x29: {  	_ = 	snop;
	(pc) =	sbr.rel @p1 .LBB2_5-.Ltmp2, $1  }
0x2a: {  	_ =	sdelay $0x3  }
0x2b: {  	s14 =	simm.s32 $0x1  }
0x2c: {  	_ =	swait.ge [sflag:s7], $0x80;
	s14 =	simm.s32 @!p0 $0x0  }
0x2d: {  	[sflag:s7] =	ssyncset.done $0x0;
	s14 =	sshll.u32 s14, $0x7  }
0x2e: {  	[sflag:s7] =	ssyncadd.s32 $0xFFFFFF80;
	(ifvalue) =	ssetifvalue $0x7FFFFFFF;
	v0 =	vld.msk [tilespmem:s14+$0x0 ss:$0x1], $0xffff;
	_ =	sdelay $0x4  }
0x2f: {  	s15 =	sadd.s32 $0x10, s14;
	vm1 =	veq.s32 v0, $0x80000000;
	v2 =	vand.u32 $0x7F, v0;
	v0 =	vand.u32 $0x3F80, v0  }
0x30: {  	v1 =	vld.msk [tilespmem:s15+$0x0 ss:$0x1], $0xffff;
	v2 =	vsel vm1, $0xFFFFFFFF, v2;
	v0 =	vsel vm1, $0xFFFFFF80, v0  }
0x31: {  	v3 =	vand.u32 $0xFFFFFC00, v0;
	v4 =	vand.u32 $0xFFFFFC00, v2  }
0x32: {  	v0 =	vand.u32 $0x380, v0;
	v3 =	vadd.s32 v4, v3  }
0x33: {  	v2 =	vand.u32 $0x7F, v2;
	v0 =	vor.u32 v0, v3  }
0x34: {  	v0 =	vor.u32 v2, v0  }
0x35: {  	s16 =	sshll.u32 s12, $0x7;
	vm1 =	veq.s32 v1, $0x80000000;
	v4 =	vand.u32 $0x7F, v1;
	v1 =	vand.u32 $0x3F80, v1  }
0x36: {  	s18 =	sand.u32 $0x80, s16;
	v3 =	vsel vm1, $0xFFFFFFFF, v4;
	v4 =	vsel vm1, $0xFFFFFF80, v1  }
0x37: {  	s16 =	sor.u32 $0x100, s14;
	s14 =	sor.u32 $0x100, s18;
	s17 =	sadd.s32 $0x10, s15;
	v5 =	vand.u32 $0xFFFFFC00, v4;
	v6 =	vand.u32 $0xFFFFFC00, v3  }
0x38: {  	s18 =	simm.s32 $0x20;
	s15 =	sadd.s32 $0x10, s16;
	v1 =	vld.msk [tilespmem:s17+$0x0 ss:$0x1], $0xffff;
	(ifvalue) =	ssetifvalue $0x7FFFFFFF;
	v2 =	vand.u32 $0x7F, v3;
	v4 =	vand.u32 $0x380, v4;
	v3 =	vadd.s32 v6, v5  }
.LBB2_3:
0x39: {  	[tilespmem:s16], [sflag:$0x1] =	stream.indirect_vreg.gather [hbm4b:s4+s10], $0x1, v0, vm0, $0x4038;
	[tilespmem:$0x200] =	vst v63  }
0x3a: {  	s18 =	sadd.s32 $0x10, s18  }
0x3b: {  	v3 =	vor.u32 v4, v3;
	p1 =	slt.u32 s18, $0x70  }
.Ltmp3:
0x3c: {  	s17 =	sadd.s32 $0x10, s17;
	v0 =	vor.u32 v2, v3;
	(pc) =	sbr.rel @p1 .LBB2_3-.Ltmp3, $4  }
0x3d: {  	vm1 =	veq.s32 v1, $0x80000000;
	s16 =	smov.u32 s15;
	v2 =	vand.u32 $0x7F, v1;
	v3 =	vand.u32 $0x3F80, v1;
	v1 =	vld.msk [tilespmem:s17+$0x0 ss:$0x1], $0xffff  }
0x3e: {  	v4 =	vsel vm1, $0xFFFFFFFF, v2;
	v5 =	vsel vm1, $0xFFFFFF80, v3  }
0x3f: {  	v2 =	vand.u32 $0x7F, v4;
	v3 =	vand.u32 $0xFFFFFC00, v5;
	v4 =	vand.u32 $0xFFFFFC00, v4  }
0x40: {  	s15 =	sadd.s32 $0x10, s15;
	v3 =	vadd.s32 v4, v3;
	v4 =	vand.u32 $0x380, v5;
	(ifvalue) =	ssetifvalue $0x7FFFFFFF  }
.Ltmp4:
0x41: {  	_ = 	snop;
	(pc) =	sbr.rel .LBB2_4-.Ltmp4, $1  }
0x42: {  	_ =	sdelay $0x3  }
.LBB2_6:
0x43: {  	_ =	sfence.sel $0x180000  }
0x44: {  	s2 =	simm.s32 $0x2;
	[bflag:$0x0] =	sbarrier.arrive $0xFFFF  }
0x45: {  	s30 =	simm.s32 $0x3;
	[sflag:s2] =	ssyncpa.u1 $0x1  }
0x46: {  	s31 =	simm.s32 $0x1;
	[sflag:s30] =	ssyncpa.u1 $0x1  }
0x47: {  	[sflag:s31] =	ssyncpa.u1 $0x1  }
0x48: {  	p0 =	sne.s32 s1, $0x0;
	_ =	strace $0x90000056  }
0x49: {  	s0 =	sadd.s32 @!p0 $0x100000, s0;
	[bflag:$0x2] =	sbarrier.arrive $0xFFFF  }
0x4a: {  	[sflag:s0] =	ssyncadd.tile.s32 @!p0 $0x1;
	_ =	shalt  }
.Lfunc_end2:
_tile_overlayer_lowered:
.L_overlay_start_2:
0x4b: {  	(tag) =	ssettag $0x2  }
0x4c: {  	s0 =	rddreg [dreg:$0x0];
	s2 =	stileid.u32  }
0x4d: {  	s1 =	rddreg [dreg:$0x1];
	p0 =	sne.s32 s2, $0x0  }
0x4e: {  	s3 =	rddreg [dreg:$0x2];
	[bflag:$0x3] =	sbarrier.arrive $0xFFFF;
	s2 =	simm.s32 @!p0 $0x1C01  }
0x4f: {  	[timem:s3], [sflag:s2] =	dma.local @!p0 [hbm:s0], s1  }
0x50: {  	s0 =	simm.s32 @!p0 $0x1  }
0x51: {  	_ =	swait.ge @!p0 [sflag:s0], s1  }
0x52: {  	s1 =	ssub.s32 @!p0 $0x0, s1;
	[sflag:s0] =	ssyncset.done @!p0 $0x0  }
0x53: {  	[sflag:s0] =	ssyncadd.s32 @!p0 s1  }
0x54: {  	[bflag:$0x3] =	sbarrier.arrive $0xFFFF  }
0x55: {  	_ =	shalt  }

// kernel: gather_offload_async_start
scs
__scs_entry_jumppad:
0x0: {  	(pc) =	sbr.rel $0x88, $3  }
0x1: {  	(tag) =	ssettag $0x0;
	lr =	simm.s32 $0x1  }
0x2: {  	[smem:$0x3F9A] =	sst lr;
	_ =	strace $0xD0000000  }
0x3: {  	_ = 	snop  }
0x4: {  	_ = 	snop  }
0x5: {  	_ = 	snop  }
0x6: {  	_ = 	snop  }
0x7: {  	_ = 	snop  }
__scs_overlays_trampoline_lowered:
0x8: {  	[smem:$0x3FA9] =	sst s0  }
0x9: {  	[smem:$0x3FAA] =	sst s1  }
0xa: {  	[smem:$0x3FAB] =	sst s2  }
0xb: {  	[smem:$0x3FAC] =	sst s3  }
0xc: {  	[smem:$0x3FAD] =	sst s4  }
0xd: {  	[smem:$0x3FAE] =	sst s5  }
0xe: {  	[smem:$0x3FAF] =	sst s6  }
0xf: {  	[smem:$0x3FB0] =	sst s7  }
0x10: {  	[smem:$0x3FB1] =	sst s8  }
0x11: {  	[smem:$0x3FB2] =	sst s9;
	s0 =	simm.s32 @!p0 $0x0  }
0x12: {  	s1 =	sld [smem:$0x3F98];
	s0 =	simm.s32 @p0 $0x1  }
0x13: {  	[smem:$0x3FB3] =	sst s0;
	s0 =	simm.s32 @!p1 $0x0  }
0x14: {  	s2 =	sld [smem:$0x3F97];
	s0 =	simm.s32 @p1 $0x1  }
0x15: {  	[smem:$0x3FB4] =	sst s0;
	s0 =	simm.s32 @!p2 $0x0  }
0x16: {  	s3 =	sld [smem:$0x3FDB];
	s0 =	simm.s32 @p2 $0x1  }
0x17: {  	s4 =	simm.s32 $0x1BF5;
	[smem:$0x3FB6] =	sst s0  }
0x18: {  	s0 =	sld [smem:$0x3F99];
	_ =	swait.ge [sflag:s4], $0x0  }
0x19: {  	s7 =	sld [smem:$0x3F9A]  }
0x1a: {  	s8 =	sadd.s32 $0xFFFFE003, lr  }
0x1b: {  	s9 =	sadd.s32 $0xFFFFFEF7, lr;
	s5 =	simm.s32 $0xFFFFFFFF;
	p2 =	slt.u32 s8, $0xFFFFF086  }
0x1c: {  	p1 =	slt.u32 s9, $0xF7A;
	s5 =	simm.s32 @!p2 $0x0  }
0x1d: {  	s5 =	simm.s32 @p1 $0x1;
	p0 =	seq.s32 s7, s2  }
0x1e: {  	s7 =	smul.u32 @!p0 $0xF7A, s2;
	p2 =	seq.s32 @!p0 s5, $0x0  }
0x1f: {  	s9 =	smul.u32 $0xF7A, s1;
	s8 =	simm.s32 @!p0 $0x1BF5;
	p2 =	por !p2, p0  }
0x20: {  	[sflag:s8] =	ssyncset.s32 @!p0 $0xFFFFF086;
	s6 =	sadd.s32 @!p0 s3, s7;
	s7 =	simm.s32 @!p0 $0x108  }
0x21: {  	s3 =	sadd.s32 s3, s9;
	s6 =	sadd.s32 @!p0 $0x88, s6;
	s7 =	simm.s32 @p2 $0x1082  }
0x22: {  	[simem:s7], [sflag:s8] =	dma.local @!p0 [hbm:s6], $0xF7A  }
0x23: {  	s9 =	sor.u32 $0xD0000000, s2;
	s6 =	simm.s32 $0x108;
	_ =	swait.ge @!p0 [sflag:s8], $0x0  }
0x24: {  	s3 =	sadd.s32 $0x88, s3;
	s6 =	simm.s32 @!p1 $0x1082;
	[sflag:s4] =	ssyncset.s32 $0xFFFFF086  }
0x25: {  	[simem:s6], [sflag:s4] =	dma.local [hbm:s3], $0xF7A  }
0x26: {  	[smem:$0x3F9A] =	sst s1;
	(tag) =	ssettag s2;
	_ =	strace s9  }
0x27: {  	s1 =	sld [smem:$0x3FAA]  }
0x28: {  	s2 =	sld [smem:$0x3FAB]  }
0x29: {  	s4 =	sld [smem:$0x3FAD]  }
0x2a: {  	p0 =	seq.s32 s5, $0x0;
	s5 =	sld [smem:$0x3FAE]  }
0x2b: {  	s6 =	sld [smem:$0x3FAF]  }
0x2c: {  	s7 =	sld [smem:$0x3FB0]  }
0x2d: {  	s3 =	simm.s32 $0x108;
	s8 =	sld [smem:$0x3FB1]  }
0x2e: {  	s3 =	simm.s32 @!p0 $0x1082;
	s9 =	sld [smem:$0x3FB2]  }
0x2f: {  	lr =	sadd.s32 s0, s3;
	s0 =	sld [smem:$0x3FA9]  }
0x30: {  	s3 =	sld [smem:$0x3FAC]  }
0x31: {  	[smem:$0x3FB5] =	sst s10  }
0x32: {  	s10 =	sld [smem:$0x3FB3];
	_ =	sdelay $0x3  }
0x33: {  	p0 =	seq.s32 s10, $0x1;
	s10 =	sld [smem:$0x3FB5];
	_ =	sdelay $0x3  }
0x34: {  	[smem:$0x3FB5] =	sst s10  }
0x35: {  	s10 =	sld [smem:$0x3FB4];
	_ =	sdelay $0x3  }
0x36: {  	p1 =	seq.s32 s10, $0x1;
	s10 =	sld [smem:$0x3FB5];
	_ =	sdelay $0x3  }
0x37: {  	[smem:$0x3FB5] =	sst s10  }
0x38: {  	s10 =	sld [smem:$0x3FB6]  }
0x39: {  	_ = 	snop;
	(pc) =	sbr.ind lr, $3  }
0x3a: {  	_ = 	snop  }
0x3b: {  	_ = 	snop  }
0x3c: {  	p2 =	seq.s32 s10, $0x1;
	s10 =	sld [smem:$0x3FB5]  }
0x3d: {  	_ =	shalt  }
0x3e: {  	_ =	shalt  }
0x3f: {  	_ =	shalt  }
0x40: {  	_ =	shalt  }
0x41: {  	_ =	shalt  }
0x42: {  	_ =	shalt  }
0x43: {  	_ =	shalt  }
0x44: {  	_ =	shalt  }
0x45: {  	_ =	shalt  }
0x46: {  	_ =	shalt  }
0x47: {  	_ =	shalt  }
0x48: {  	_ =	shalt  }
0x49: {  	_ =	shalt  }
0x4a: {  	_ =	shalt  }
0x4b: {  	_ =	shalt  }
0x4c: {  	_ =	shalt  }
0x4d: {  	_ =	shalt  }
0x4e: {  	_ =	shalt  }
0x4f: {  	_ =	shalt  }
0x50: {  	_ =	shalt  }
0x51: {  	_ =	shalt  }
0x52: {  	_ =	shalt  }
0x53: {  	_ =	shalt  }
0x54: {  	_ =	shalt  }
0x55: {  	_ =	shalt  }
0x56: {  	_ =	shalt  }
0x57: {  	_ =	shalt  }
0x58: {  	_ =	shalt  }
0x59: {  	_ =	shalt  }
0x5a: {  	_ =	shalt  }
0x5b: {  	_ =	shalt  }
0x5c: {  	_ =	shalt  }
0x5d: {  	_ =	shalt  }
0x5e: {  	_ =	shalt  }
0x5f: {  	_ =	shalt  }
0x60: {  	_ =	shalt  }
0x61: {  	_ =	shalt  }
0x62: {  	_ =	shalt  }
0x63: {  	_ =	shalt  }
0x64: {  	_ =	shalt  }
0x65: {  	_ =	shalt  }
0x66: {  	_ =	shalt  }
0x67: {  	_ =	shalt  }
0x68: {  	_ =	shalt  }
0x69: {  	_ =	shalt  }
0x6a: {  	_ =	shalt  }
0x6b: {  	_ =	shalt  }
0x6c: {  	_ =	shalt  }
0x6d: {  	_ =	shalt  }
0x6e: {  	_ =	shalt  }
0x6f: {  	_ =	shalt  }
0x70: {  	_ =	shalt  }
0x71: {  	_ =	shalt  }
0x72: {  	_ =	shalt  }
0x73: {  	_ =	shalt  }
0x74: {  	_ =	shalt  }
0x75: {  	_ =	shalt  }
0x76: {  	_ =	shalt  }
0x77: {  	_ =	shalt  }
0x78: {  	_ =	shalt  }
0x79: {  	_ =	shalt  }
0x7a: {  	_ =	shalt  }
0x7b: {  	_ =	shalt  }
0x7c: {  	_ =	shalt  }
0x7d: {  	_ =	shalt  }
0x7e: {  	_ =	shalt  }
0x7f: {  	_ =	shalt  }
0x80: {  	_ =	shalt  }
0x81: {  	_ =	shalt  }
0x82: {  	_ =	shalt  }
0x83: {  	_ =	shalt  }
0x84: {  	_ =	shalt  }
0x85: {  	_ =	shalt  }
0x86: {  	_ =	shalt  }
0x87: {  	_ =	shalt  }
.Lfunc_end0:
.L_simem_size_0:
called_computation_lowered:
.L_overlay_start_0:
0x88: {  	s2 =	sld [smem:$0x3FD9]  }
0x89: {  	s3 =	sld [smem:$0x3FFE];
	_ =	sdelay $0x1  }
0x8a: {  	s1 =	srdreg.scid  }
0x8b: {  	s0 =	sand.u32 $0x1, s1  }
0x8c: {  	s16 =	sshll.u32 s0, $0xA;
	s2 =	sadd.s32 s3, s2  }
0x8d: {  	s2 =	sadd.s32 s2, s16  }
0x8e: {  	[smem:$0x3FC1] =	sst s2  }
0x8f: {  	_ = 	snop  }
0x90: {  	(tm) =	ssettm $0x1  }
0x91: {  	s17 =	sld [smem:$0x3FFB];
	_ =	sdelay $0x3  }
0x92: {  	_ =	strace s17  }
0x93: {  	s2 =	sld [smem:$0x3FFC];
	_ =	sdelay $0x3  }
0x94: {  	_ =	strace s2  }
0x95: {  	s2 =	sld [smem:$0x3FFD];
	_ =	sdelay $0x3  }
0x96: {  	_ =	strace s2  }
0x97: {  	_ =	strace $0x8FFFFFFF  }
0x98: {  	s18 =	sld [smem:$0x3FDB];
	_ =	sdelay $0x1  }
0x99: {  	s19 =	simm.s32 $_scs_section_size  }
0x9a: {  	s4 =	simm.s32 $_size__tile_overlayer_lowered;
	s5 =	simm.s32 $_tile_overlayer_lowered  }
0x9b: {  	s22 =	simm.s32 $0x1BFF;
	s21 =	sshll.u32 s5, $0x1;
	s2 =	sadd.s32 s19, s18  }
0x9c: {  	s6 =	simm.s32 $0x0;
	s20 =	sshll.u32 s4, $0x1;
	s4 =	sadd.s32 s21, s2  }
0x9d: {  	[timem:s6], [sflag:s22] =	dma.local [hbm:s4], s20  }
0x9e: {  	_ =	swait.ge [sflag:s22], s20  }
0x9f: {  	s3 =	ssub.s32 $0x0, s20;
	[sflag:s22] =	ssyncset.done $0x0  }
0xa0: {  	[sflag:s22] =	ssyncadd.s32 s3;
	_ =	sdelay $0x1  }
0xa1: {  	s23 =	simm.s32 $0x1B8B  }
0xa2: {  	_ =	swait.ge [sflag:s23], $0x1  }
0xa3: {  	[sflag:s23] =	ssyncset.done $0x0  }
0xa4: {  	s25 =	simm.s32 $0x1B8E;
	s24 =	sld [smem:$0x3FFE];
	[sflag:s23] =	ssyncadd.s32 $0xFFFFFFFF  }
0xa5: {  	s26 =	simm.s32 $execute0_lowered;
	[smem:$0x3FD2] =	sst s25  }
0xa6: {  	s4 =	sshll.u32 s26, $0x1;
	_ =	strace $0x80000046;
	[dreg:$0x1] =	wrdreg $0xFFFFFFFF  }
0xa7: {  	s28 =	simm.s32 $_size_execute0_lowered;
	s2 =	sadd.s32 s2, s4;
	[dreg:$0x0] =	wrdreg $0x0  }
0xa8: {  	s4 =	sshll.u32 s28, $0x1;
	[dreg:$0x2] =	wrdreg s2  }
0xa9: {  	[dreg:$0x3] =	wrdreg s4  }
0xaa: {  	[dreg:$0x4] =	wrdreg $0xC0  }
0xab: {  	_ =	task [dreg:s6], $0x5FFFF  }
0xac: {  	[dreg:$0x1] =	wrdreg $0xFFFFFFFF  }
0xad: {  	[dreg:$0x0] =	wrdreg $0x60  }
0xae: {  	[dreg:$0x2] =	wrdreg s24  }
0xaf: {  	[dreg:$0x3] =	wrdreg $0x9  }
0xb0: {  	_ =	task.clear_ibuf [dreg:s6], $0x4FFFF;
	_ =	strace $0x90000046  }
0xb1: {  	s29 =	simm.s32 $0x9;
	_ =	strace $0x80000048  }
0xb2: {  	_ =	swait.ge [sflag:s29], $0x1  }
0xb3: {  	[sflag:s29] =	ssyncadd.s32 $0xFFFFFFFF  }
0xb4: {  	_ =	strace $0x90000048  }
0xb5: {  	_ =	sfence  }
0xb6: {  	s30 =	sld [smem:$0x0];
	_ =	sdelay $0x2  }
0xb7: {  	s31 =	sshll.u32 s1, $0xD;
	s1 =	sshrl.u32 s1, $0x2  }
0xb8: {  	s3 =	sand.u32 $0x4000, s31;
	s1 =	sadd.s32 s1, s30  }
0xb9: {  	s0 =	sor.u32 s3, s0;
	s1 =	sshll.u32 s1, $0x11  }
0xba: {  	s0 =	sor.u32 s1, s0  }
0xbb: {  	s0 =	sadd.s32 $0x8F2B, s0  }
0xbc: {  	[sflag:s0] =	ssyncadd.remote.s32 $0x1  }
0xbd: {  	_ =	sfence.sel $0xFFFF  }
0xbe: {  	[dreg:$0x0] =	wrdreg $0xFFFFFFFF;
	(pc) =	sbr.abs _section_cstart, $3  }
0xbf: {  	[dreg:$0x1] =	wrdreg $0xFFFFFFFF  }
0xc0: {  	_ =	task.clear_ibuf [dreg:s6], $0x2FFFF;
	_ =	strace $0x9FFFFFFF  }
0xc1: {  	(tm) =	ssettm $0x7FFFFFFF  }
tec
execute0_lowered:
.L_overlay_start_1:
0x0: {  	(tag) =	ssettag $0x1  }
0x1: {  	s0 =	stileid.u32  }
0x2: {  	s1 =	srdreg.scid;
	s2 =	rddreg [dreg:$0x0]  }
0x3: {  	s5 =	simm.s32 $0x1;
	s8 =	simm.s32 $0x1;
	s9 =	simm.s32 $0x3  }
0x4: {  	s10 =	simm.s32 $0x0;
	s3 =	sand.u32 $0x1, s1;
	s4 =	sshll.u32 s0, $0x1  }
0x5: {  	s13 =	simm.s32 $0x0;
	s12 =	simm.s32 $0x0;
	s6 =	sor.u32 s4, s3  }
0x6: {  	s1 =	rddreg [dreg:$0x1];
	_ =	strace $0x80000047;
	s4 =	smul.u32 $0xC00, s6  }
0x7: {  	s3 =	sadd.s32 $0x18A00, s2;
	p0 =	slt.u32 s6, $0x9;
	s6 =	simm.s32 $0x18000  }
.Ltmp0:
0x8: {  	s6 =	simm.s32 @!p0 $0x0;
	s7 =	ssub.s32 $0x1E000, s4;
	(pc) =	sbr.rel .LBB2_1-.Ltmp0, $4  }
0x9: {  	s8 =	simm.s32 @!p0 $0x0;
	p0 =	sne.s32 s7, s6;
	s7 =	simm.s32 $0x1  }
0xa: {  	[sflag:s5] =	ssyncpa.u1 $0x0;
	s6 =	simm.s32 $0x2;
	s7 =	simm.s32 @!p0 $0x0  }
0xb: {  	s11 =	smov.u32 s4;
	[sflag:s6] =	ssyncpa.u1 $0x0;
	s7 =	sadd.s32 s8, s7  }
0xc: {  	vm0 =	vmmov $0xffff;
	s8 =	sadd.s32 $0x32DA00, s2;
	[sflag:s9] =	ssyncpa.u1 $0x0;
	s9 =	sadd.s32 $0x1, s7  }
.LBB2_4:
0xd: {  	vm1 =	veq.s32 v1, $0x80000000;
	v5 =	vand.u32 $0x7F, v1;
	v60 =	vand.u32 $0xFFF80, v1  }
0xe: {  	v5 =	vsel vm1, $0xFFFFFFFF, v5;
	v1 =	vsel vm1, $0xFFFFFF80, v60  }
0xf: {  	v3 =	vor.u32 v4, v3;
	v61 =	vand.u32 $0xFFFFFC00, v1;
	v6 =	vand.u32 $0xFFFFFC00, v5  }
0x10: {  	v2 =	vor.u32 v2, v3;
	v1 =	vand.u32 $0x380, v1;
	v62 =	vadd.s32 v6, v61  }
0x11: {  	v63 =	vand.u32 $0x7F, v5;
	v1 =	vor.u32 v1, v62  }
0x12: {  	v1 =	vor.u32 v63, v1  }
0x13: {  	[tilespmem:s18], [sflag:$0x1] =	stream.indirect_vreg.gather [hbm4b:s2+s10], $0x1, v0, vm0, $0x4038;
	[tilespmem:$0x3000] =	vst v63  }
0x14: {  	(ifvalue) =	ssetifvalue $0x7FFFFFFF  }
0x15: {  	[tilespmem:s15], [sflag:$0x1] =	stream.indirect_vreg.gather [hbm4b:s2+s10], $0x1, v2, vm0, $0x4038;
	[tilespmem:$0x3000] =	vst v63  }
0x16: {  	s29 =	sadd.s32 $0x10, s15;
	(ifvalue) =	ssetifvalue $0x7FFFFFFF  }
0x17: {  	[tilespmem:s29], [sflag:$0x1] =	stream.indirect_vreg.gather [hbm4b:s2+s10], $0x1, v1, vm0, $0x4038;
	[tilespmem:$0x3000] =	vst v63  }
0x18: {  	_ =	swait.ge [sflag:s5], $0xC00  }
0x19: {  	s30 =	sshrl.u32 s13, $0x3;
	[sflag:s5] =	ssyncset.done $0x0  }
0x1a: {  	s31 =	sand.u32 $0x7, s13;
	s15 =	sadd.s32 s8, s30;
	[sflag:s5] =	ssyncadd.s32 $0xFFFFF400  }
0x1b: {  	[hbm4b:s15+s31] =	stream.linear.scatter [tilespmem:s14], [sflag:$0x3], $0xC00, $0x38;
	[tilespmem:$0x3000] =	vst v63  }
.LBB2_5:
0x1c: {  	s15 =	sadd.s32 $0x18000, s11  }
0x1d: {  	p1 =	sgt.s32 s15, $0x1DFFF  }
0x1e: {  	s15 =	smov.u32 @p1 s4;
	p1 =	sne.s32 s12, s9  }
.Ltmp1:
0x1f: {  	p0 =	slt.u32 s12, $0x2;
	(pc) =	sbr.rel @!p1 .LBB2_6-.Ltmp1, $4  }
0x20: {  	s14 =	simm.s32 @!p0 $0x3  }
0x21: {  	_ =	swait.ge @!p0 [sflag:s14], $0xC00  }
0x22: {  	s16 =	sadd.s32 $0x1, s12;
	s13 =	smov.u32 s11;
	[sflag:s14] =	ssyncset.done @!p0 $0x0  }
0x23: {  	s12 =	smov.u32 s16;
	s11 =	smov.u32 s15;
	[sflag:s14] =	ssyncadd.s32 @!p0 $0xFFFFF400  }
.LBB2_1:
0x24: {  	p0 =	sge.u32 s12, s7  }
0x25: {  	s14 =	sxor.u32 @!p0 $0x1, s12  }
0x26: {  	s14 =	smul.u32 @!p0 $0x3000, s14  }
0x27: {  	s31 =	sadd.s32 $0xFFFFFFFF, s12;
	s15 =	sshrl.u32 @!p0 s11, $0x3  }
0x28: {  	s16 =	sand.u32 @!p0 $0x7, s11;
	s15 =	sadd.s32 @!p0 s3, s15;
	s14 =	sshra.s32 @!p0 s14, $0x2  }
0x29: {  	[tilespmem:s14], [sflag:$0x2] =	stream.linear.gather @!p0 [hbm4b:s15+s16], $0xC00, $0x38;
	[tilespmem:$0x3000] =	vst v63  }
0x2a: {  	p0 =	sge.u32 s31, s7  }
.Ltmp2:
0x2b: {  	_ = 	snop;
	(pc) =	sbr.rel @p0 .LBB2_5-.Ltmp2, $1  }
0x2c: {  	_ =	sdelay $0x3  }
0x2d: {  	s14 =	sand.u32 $0x1, s12  }
0x2e: {  	_ =	swait.ge [sflag:s6], $0xC00;
	p0 =	seq.s32 s14, $0x1;
	s14 =	simm.s32 $0xC00  }
0x2f: {  	[sflag:s6] =	ssyncset.done $0x0;
	s14 =	simm.s32 @!p0 $0x0  }
0x30: {  	[sflag:s6] =	ssyncadd.s32 $0xFFFFF400;
	(ifvalue) =	ssetifvalue $0x7FFFFFFF;
	v0 =	vld.msk [tilespmem:s14+$0x0 ss:$0x1], $0xffff;
	_ =	sdelay $0x4  }
0x31: {  	s15 =	sadd.s32 $0x10, s14;
	vm1 =	veq.s32 v0, $0x80000000;
	v2 =	vand.u32 $0x7F, v0;
	v0 =	vand.u32 $0xFFF80, v0  }
0x32: {  	v1 =	vld.msk [tilespmem:s15+$0x0 ss:$0x1], $0xffff;
	v2 =	vsel vm1, $0xFFFFFFFF, v2;
	v0 =	vsel vm1, $0xFFFFFF80, v0  }
0x33: {  	v3 =	vand.u32 $0xFFFFFC00, v0;
	v4 =	vand.u32 $0xFFFFFC00, v2  }
0x34: {  	v0 =	vand.u32 $0x380, v0;
	v3 =	vadd.s32 v4, v3  }
0x35: {  	v2 =	vand.u32 $0x7F, v2;
	v0 =	vor.u32 v0, v3  }
0x36: {  	v0 =	vor.u32 v2, v0  }
0x37: {  	vm1 =	veq.s32 v1, $0x80000000;
	v4 =	vand.u32 $0x7F, v1;
	v1 =	vand.u32 $0xFFF80, v1  }
0x38: {  	v3 =	vsel vm1, $0xFFFFFFFF, v4;
	v4 =	vsel vm1, $0xFFFFFF80, v1  }
0x39: {  	s17 =	simm.s32 $0x20;
	s14 =	sadd.s32 $0x1800, s14;
	s16 =	sadd.s32 $0x10, s15;
	v5 =	vand.u32 $0xFFFFFC00, v4;
	v6 =	vand.u32 $0xFFFFFC00, v3  }
0x3a: {  	s15 =	sadd.s32 $0x10, s14;
	s18 =	smov.u32 s14;
	v1 =	vld.msk [tilespmem:s16+$0x0 ss:$0x1], $0xffff;
	(ifvalue) =	ssetifvalue $0x7FFFFFFF;
	v2 =	vand.u32 $0x7F, v3;
	v4 =	vand.u32 $0x380, v4;
	v3 =	vadd.s32 v6, v5  }
.LBB2_3:
0x3b: {  	[tilespmem:s18], [sflag:$0x1] =	stream.indirect_vreg.gather [hbm4b:s2+s10], $0x1, v0, vm0, $0x4038;
	[tilespmem:$0x3000] =	vst v63  }
0x3c: {  	s17 =	sadd.s32 $0x10, s17  }
0x3d: {  	v3 =	vor.u32 v4, v3;
	p0 =	slt.u32 s17, $0xBF0  }
.Ltmp3:
0x3e: {  	s16 =	sadd.s32 $0x10, s16;
	v0 =	vor.u32 v2, v3;
	(pc) =	sbr.rel @p0 .LBB2_3-.Ltmp3, $4  }
0x3f: {  	vm1 =	veq.s32 v1, $0x80000000;
	s18 =	smov.u32 s15;
	v2 =	vand.u32 $0x7F, v1;
	v3 =	vand.u32 $0xFFF80, v1;
	v1 =	vld.msk [tilespmem:s16+$0x0 ss:$0x1], $0xffff  }
0x40: {  	v4 =	vsel vm1, $0xFFFFFFFF, v2;
	v5 =	vsel vm1, $0xFFFFFF80, v3  }
0x41: {  	v2 =	vand.u32 $0x7F, v4;
	v3 =	vand.u32 $0xFFFFFC00, v5;
	v4 =	vand.u32 $0xFFFFFC00, v4  }
0x42: {  	s15 =	sadd.s32 $0x10, s15;
	v3 =	vadd.s32 v4, v3;
	v4 =	vand.u32 $0x380, v5;
	(ifvalue) =	ssetifvalue $0x7FFFFFFF  }
.Ltmp4:
0x43: {  	_ = 	snop;
	(pc) =	sbr.rel .LBB2_4-.Ltmp4, $1  }
0x44: {  	_ =	sdelay $0x3  }
.LBB2_6:
0x45: {  	_ =	sfence.sel $0x180000  }
0x46: {  	s2 =	simm.s32 $0x2;
	[bflag:$0x0] =	sbarrier.arrive $0xFFFF  }
0x47: {  	s30 =	simm.s32 $0x3;
	[sflag:s2] =	ssyncpa.u1 $0x1  }
0x48: {  	s31 =	simm.s32 $0x1;
	[sflag:s30] =	ssyncpa.u1 $0x1  }
0x49: {  	[sflag:s31] =	ssyncpa.u1 $0x1  }
0x4a: {  	p0 =	sne.s32 s0, $0x0;
	_ =	strace $0x90000047  }
0x4b: {  	s0 =	sadd.s32 @!p0 $0x100000, s1;
	[bflag:$0x2] =	sbarrier.arrive $0xFFFF  }
0x4c: {  	[sflag:s0] =	ssyncadd.tile.s32 @!p0 $0x1;
	_ =	shalt  }
.Lfunc_end2:
_tile_overlayer_lowered:
.L_overlay_start_2:
0x4d: {  	(tag) =	ssettag $0x2  }
0x4e: {  	s0 =	rddreg [dreg:$0x0];
	s2 =	stileid.u32  }
0x4f: {  	s1 =	rddreg [dreg:$0x1];
	p0 =	sne.s32 s2, $0x0  }
0x50: {  	s3 =	rddreg [dreg:$0x2];
	[bflag:$0x3] =	sbarrier.arrive $0xFFFF;
	s2 =	simm.s32 @!p0 $0x1C01  }
0x51: {  	[timem:s3], [sflag:s2] =	dma.local @!p0 [hbm:s0], s1  }
0x52: {  	s0 =	simm.s32 @!p0 $0x1  }
0x53: {  	_ =	swait.ge @!p0 [sflag:s0], s1  }
0x54: {  	s1 =	ssub.s32 @!p0 $0x0, s1;
	[sflag:s0] =	ssyncset.done @!p0 $0x0  }
0x55: {  	[sflag:s0] =	ssyncadd.s32 @!p0 s1  }
0x56: {  	[bflag:$0x3] =	sbarrier.arrive $0xFFFF  }
0x57: {  	_ =	shalt  }

</sc_bundles>
